<compile_context>
chip_gen: v7x
topology: tpu7x:2x2x1
jax: 0.10.2.dev20260603
libtpu: 0.0.44.dev20260713+nightly
codegen_flags: <defaults>
</compile_context>

<pallas_src>
import dataclasses
import functools

import jax
import jax.numpy as jnp
from jax import lax
from jax.experimental import pallas as pl
from jax.experimental.pallas import tpu as pltpu
from jax.experimental.pallas import tpu_sc as plsc

N = 10000
D = 128
E = 320000

NC = 2
NS = 16
NW = NC * NS
CH = 128
CPT = 80
G = 8
E_PAD = NW * CPT * CH
N_PAD = 10240
RPT = N_PAD // NS
RB = 320

@functools.cache
def _mesh():
    return plsc.VectorSubcoreMesh(
        core_axis_name="c", subcore_axis_name="s", num_cores=NC, num_subcores=NS
    )



_DEG_ROWS = N_PAD // D
_DR_T = _DEG_ROWS // NS
_HCH = E_PAD // NW // 16

_cp_no_layout = dataclasses.replace(
    pltpu.CompilerParams(), needs_layout_passes=False
)


def _sc_degree(dsth, zrows, iota80):

    @functools.partial(
        pl.kernel,
        out_type=jax.ShapeDtypeStruct((NC, _DEG_ROWS, D), jnp.float32),
        mesh=_mesh(),
        compiler_params=_cp_no_layout,
        scratch_types=[
            pltpu.VMEM((_HCH, 16), jnp.int32),
            pltpu.VMEM((_DEG_ROWS, D), jnp.float32),
            pltpu.VMEM((_DEG_ROWS,), jnp.int32),
            pltpu.VMEM_SHARED((_DEG_ROWS, D), jnp.float32),
        ],
    )
    def kern(dsth_hbm, z_hbm, iota_hbm, out_hbm, dstv, hist, idz, dacc):
        c = lax.axis_index("c")
        s = lax.axis_index("s")
        w = s * NC + c
        pltpu.sync_copy(z_hbm.at[pl.ds(0, _DEG_ROWS)], hist)

        @pl.when(s < _DEG_ROWS // 8)
        def _():
            pltpu.sync_copy(z_hbm.at[pl.ds(0, 8)], dacc.at[pl.ds(s * 8, 8)])

        pltpu.sync_copy(iota_hbm, idz)
        pltpu.sync_copy(dsth_hbm.at[pl.ds(w * _HCH, _HCH)], dstv)
        plsc.subcore_barrier()

        ones = jnp.full((16,), 1.0, jnp.float32)

        @pl.loop(0, _HCH)
        def _(j):
            idx = dstv[j, :]
            hi = lax.shift_right_logical(idx, 7)
            lo = lax.bitwise_and(idx, 127)
            plsc.addupdate_scatter(hist, [hi, lo], ones)

        pltpu.sync_copy(hist, dacc.at[idz], add=True)
        plsc.subcore_barrier()

        @pl.when(s < _DEG_ROWS // 8)
        def _():
            pltpu.sync_copy(
                dacc.at[pl.ds(s * 8, 8)], out_hbm.at[c, pl.ds(s * 8, 8)]
            )

    return kern(dsth, zrows, iota80)


def _sc_accumulate(hp, srcp, dstp, zrows):

    @functools.partial(
        pl.kernel,
        out_type=jax.ShapeDtypeStruct((NC, N_PAD, D), jnp.float32),
        mesh=_mesh(),
        scratch_types=[
            pltpu.VMEM((G, CH), jnp.int32),
            pltpu.VMEM((G, CH), jnp.int32),
            pltpu.VMEM((CH, D), jnp.float32),
            pltpu.VMEM((CH, D), jnp.float32),
            pltpu.VMEM_SHARED((N_PAD, D), jnp.float32),
            pltpu.SemaphoreType.DMA,
            pltpu.SemaphoreType.DMA,
        ],
    )
    def kern(hp_hbm, srcp_hbm, dstp_hbm, z_hbm, out_hbm,
             srcv, dstv, bufa, bufb, acc, gsa, gsb):
        c = lax.axis_index("c")
        s = lax.axis_index("s")
        w = s * NC + c
        pltpu.sync_copy(z_hbm, acc.at[pl.ds(s * RPT, RPT)])
        plsc.subcore_barrier()

        @pl.loop(0, CPT // G)
        def _(g):
            base = w * CPT + g * G
            pltpu.sync_copy(srcp_hbm.at[pl.ds(base, G)], srcv)
            pltpu.sync_copy(dstp_hbm.at[pl.ds(base, G)], dstv)
            pltpu.async_copy(hp_hbm.at[srcv.at[0]], bufa, gsa)

            @pl.loop(0, G, step=2)
            def _(j):
                pltpu.async_copy(hp_hbm.at[srcv.at[j + 1]], bufb, gsb)
                pltpu.make_async_copy(hp_hbm.at[srcv.at[j]], bufa, gsa).wait()
                pltpu.sync_copy(bufa, acc.at[dstv.at[j]], add=True)

                @pl.when(j + 2 < G)
                def _():
                    pltpu.async_copy(hp_hbm.at[srcv.at[j + 2]], bufa, gsa)

                pltpu.make_async_copy(hp_hbm.at[srcv.at[j + 1]], bufb, gsb).wait()
                pltpu.sync_copy(bufb, acc.at[dstv.at[j + 1]], add=True)

        plsc.subcore_barrier()
        pltpu.sync_copy(
            acc.at[pl.ds(s * RPT, RPT)], out_hbm.at[c, pl.ds(s * RPT, RPT)]
        )

    return kern(hp, srcp, dstp, zrows)



def _tc_matmul(x, w):
    def body(x_ref, w_ref, o_ref):
        o_ref[...] = jnp.dot(
            x_ref[...], w_ref[...], preferred_element_type=jnp.float32
        )

    return pl.pallas_call(
        body,
        grid=(N_PAD // RB,),
        in_specs=[
            pl.BlockSpec((RB, D), lambda i: (i, 0)),
            pl.BlockSpec((D, D), lambda i: (0, 0)),
        ],
        out_specs=pl.BlockSpec((RB, D), lambda i: (i, 0)),
        out_shape=jax.ShapeDtypeStruct((N_PAD, D), jnp.float32),
    )(x, w)


def _tc_scale1(h1, d0, d1):
    def body(h_ref, d0_ref, d1_ref, hp_ref, dv_ref):
        deg = 1.0 + d0_ref[...] + d1_ref[...]
        dv = lax.rsqrt(deg)
        hp_ref[...] = h_ref[...] * dv
        dv_ref[...] = dv

    return pl.pallas_call(
        body,
        grid=(N_PAD // RB,),
        in_specs=[
            pl.BlockSpec((RB, D), lambda i: (i, 0)),
            pl.BlockSpec((RB, 1), lambda i: (i, 0)),
            pl.BlockSpec((RB, 1), lambda i: (i, 0)),
        ],
        out_specs=[
            pl.BlockSpec((RB, D), lambda i: (i, 0)),
            pl.BlockSpec((RB, 1), lambda i: (i, 0)),
        ],
        out_shape=[
            jax.ShapeDtypeStruct((N_PAD, D), jnp.float32),
            jax.ShapeDtypeStruct((N_PAD, 1), jnp.float32),
        ],
    )(h1, d0, d1)


def _tc_mid(parts, h1p, dinv, b1, w2):
    def body(p_ref, h_ref, dv_ref, b_ref, w_ref, o_ref):
        dv = dv_ref[...]
        g = p_ref[0] + p_ref[1] + h_ref[...]
        g = jnp.maximum(g * dv + b_ref[...], 0.0)
        h2 = jnp.dot(g, w_ref[...], preferred_element_type=jnp.float32)
        o_ref[...] = h2 * dv

    return pl.pallas_call(
        body,
        grid=(N_PAD // RB,),
        in_specs=[
            pl.BlockSpec((NC, RB, D), lambda i: (0, i, 0)),
            pl.BlockSpec((RB, D), lambda i: (i, 0)),
            pl.BlockSpec((RB, 1), lambda i: (i, 0)),
            pl.BlockSpec((1, D), lambda i: (0, 0)),
            pl.BlockSpec((D, D), lambda i: (0, 0)),
        ],
        out_specs=pl.BlockSpec((RB, D), lambda i: (i, 0)),
        out_shape=jax.ShapeDtypeStruct((N_PAD, D), jnp.float32),
    )(parts, h1p, dinv, b1, w2)


def _tc_final(parts, h2p, dinv, b2):
    def body(p_ref, h_ref, dv_ref, b_ref, o_ref):
        dv = dv_ref[...]
        o_ref[...] = (p_ref[0] + p_ref[1] + h_ref[...]) * dv + b_ref[...]

    return pl.pallas_call(
        body,
        grid=(N_PAD // RB,),
        in_specs=[
            pl.BlockSpec((NC, RB, D), lambda i: (0, i, 0)),
            pl.BlockSpec((RB, D), lambda i: (i, 0)),
            pl.BlockSpec((RB, 1), lambda i: (i, 0)),
            pl.BlockSpec((1, D), lambda i: (0, 0)),
        ],
        out_specs=pl.BlockSpec((RB, D), lambda i: (i, 0)),
        out_shape=jax.ShapeDtypeStruct((N_PAD, D), jnp.float32),
    )(parts, h2p, dinv, b2)



def kernel(x, edge_index, W1, b1, W2, b2):
    f32 = jnp.float32
    pad_e = jnp.full((E_PAD - E,), N, dtype=jnp.int32)
    srcp = jnp.concatenate([edge_index[0], pad_e]).reshape(E_PAD // CH, CH)
    dstp = jnp.concatenate([edge_index[1], pad_e]).reshape(E_PAD // CH, CH)

    dsth = dstp.reshape(E_PAD // 16, 16)

    xp = jnp.concatenate([x, jnp.zeros((N_PAD - N, D), f32)], axis=0)
    zrows = jnp.zeros((RPT, D), f32)
    iota80 = jnp.arange(_DEG_ROWS, dtype=jnp.int32)
    b1r = b1.reshape(1, D)
    b2r = b2.reshape(1, D)

    h1 = _tc_matmul(xp, W1)
    degp = _sc_degree(dsth, zrows, iota80)
    d0 = degp[0].reshape(N_PAD, 1)
    d1 = degp[1].reshape(N_PAD, 1)
    h1p, dinv = _tc_scale1(h1, d0, d1)
    parts1 = _sc_accumulate(h1p, srcp, dstp, zrows)
    h2p = _tc_mid(parts1, h1p, dinv, b1r, W2)
    parts2 = _sc_accumulate(h2p, srcp, dstp, zrows)
    out = _tc_final(parts2, h2p, dinv, b2r)
    return out[:N]

# --- scband reference (transcript-rebuilt; emitter-appended) ---
"""Pipeline reference for scband-ncngcn-63333587746869 (READ-ONLY COPY).

The authoritative reference and input builder live on the scoring server;
editing this copy changes nothing except your own understanding.
"""

import jax, jax.numpy as jnp
import numpy as np

N = 10000
D_IN = 128
D_HID = 128
E = 320000


def setup_inputs(seed: int = 0) -> dict:
    key = jax.random.key(seed)
    k1, k2, k3, k4 = jax.random.split(key, 4)
    x = jax.random.normal(k1, (N, D_IN), dtype=jnp.float32)
    edge_index = jax.random.randint(k2, (2, E), 0, N, dtype=jnp.int32)
    # Learned parameters: two GCNConv layers (glorot-style init, zero bias)
    W1 = jax.random.normal(k3, (D_IN, D_HID), dtype=jnp.float32) * (1.0 / np.sqrt(D_IN))
    b1 = jnp.zeros((D_HID,), dtype=jnp.float32)
    W2 = jax.random.normal(k4, (D_HID, D_HID), dtype=jnp.float32) * (1.0 / np.sqrt(D_HID))
    b2 = jnp.zeros((D_HID,), dtype=jnp.float32)
    return {"x": x, "edge_index": edge_index, "W1": W1, "b1": b1, "W2": W2, "b2": b2}


def _gcn_conv(x, edge_index, W, b):
    # Faithful GCNConv: add self-loops, symmetric D^{-1/2} A D^{-1/2} normalization,
    # message = norm * (x W)[src], scatter-add into dst, then bias.
    n = x.shape[0]
    loop = jnp.arange(n, dtype=edge_index.dtype)
    src = jnp.concatenate([edge_index[0], loop])
    dst = jnp.concatenate([edge_index[1], loop])
    deg = jax.ops.segment_sum(jnp.ones_like(dst, dtype=x.dtype), dst, num_segments=n)
    dinv = jnp.where(deg > 0, jax.lax.rsqrt(jnp.maximum(deg, 1e-12)), 0.0)
    norm = dinv[src] * dinv[dst]
    h = x @ W
    msg = h[src] * norm[:, None]
    out = jax.ops.segment_sum(msg, dst, num_segments=n)
    return out + b


def reference(x, edge_index, W1, b1, W2, b2):
    # xemb = Dropout(0.0) -> identity (eval mode)
    # layer 1: conv -> (Identity LN) -> Dropout(identity) -> ReLU
    h = _gcn_conv(x, edge_index, W1, b1)
    h = jax.nn.relu(h)
    # layer 2: conv -> Identity (no res since res=False, no jk)
    out = _gcn_conv(h, edge_index, W2, b2)
    return out

if __name__ == "__main__":
    import jax
    _d = setup_inputs()
    print(jax.jit(kernel)(*tuple(_d.values())))

</pallas_src>

<mosaic_0001>
#map = affine_map<(d0, d1) -> (0, 0)>
#map1 = affine_map<(d0, d1) -> (0)>
#map2 = affine_map<(d0, d1) -> (0, 0, 0)>
module attributes {stable_mosaic.version = 14 : i64} {
  func.func @kern(%arg0: i32, %arg1: i32, %arg2: memref<20480x16xi32, #tpu.memory_space<hbm>>, %arg3: memref<640x128xf32, #tpu.memory_space<hbm>>, %arg4: memref<80xi32, #tpu.memory_space<hbm>>, %arg5: memref<2x80x128xf32, #tpu.memory_space<hbm>>, %arg6: memref<640x16xi32, #tpu.memory_space<vmem>>, %arg7: memref<80x128xf32, #tpu.memory_space<vmem>>, %arg8: memref<80xi32, #tpu.memory_space<vmem>>, %arg9: memref<80x128xf32, #tpu.memory_space<vmem_shared>>) attributes {dimension_semantics = [#tpu.dimension_semantics<core_parallel>, #tpu.dimension_semantics<subcore_parallel>], iteration_bounds = array<i64: 2, 16>, scalar_prefetch = 0 : i64, scratch_operands = 4 : i64, tpu.core_type = #tpu.core_type<sc_vector_subcore>, window_params = [{transform_indices = #map}, {transform_indices = #map}, {transform_indices = #map1}, {transform_indices = #map2}]} {
    %mul3A = arith.constant 2 : i32
    %mul3A_0 = arith.muli %arg1, %mul3A : i32
    %add3A = arith.addi %mul3A_0, %arg0 : i32
    "tpu.region"() ({
      %run_scoped3A = tpu.sem_alloc : memref<!tpu.dma_semaphore, #tpu.memory_space<semaphore_mem>>
      %dma_start3A = arith.constant 0 : i32
      %dma_start3A_16 = arith.constant 0 : i32
      %dma_start3A_17 = tpu.memref_slice %arg3[%dma_start3A, %dma_start3A_16] : memref<640x128xf32, #tpu.memory_space<hbm>> -> memref<80x128xf32, #tpu.memory_space<hbm>>
      %dma_start3A_18 = arith.constant 0 : i32
      %dma_start3A_19 = arith.constant 0 : i32
      %dma_start3A_20 = tpu.memref_slice %arg3[%dma_start3A_18, %dma_start3A_19] : memref<640x128xf32, #tpu.memory_space<hbm>> -> memref<80x128xf32, #tpu.memory_space<hbm>>
      tpu.enqueue_dma source(%dma_start3A_20 : memref<80x128xf32, #tpu.memory_space<hbm>>) target(%arg7 : memref<80x128xf32, #tpu.memory_space<vmem>>) target_semaphore(%run_scoped3A : memref<!tpu.dma_semaphore, #tpu.memory_space<semaphore_mem>>)
      %dma_wait3A = arith.constant 0 : i32
      %dma_wait3A_21 = arith.constant 0 : i32
      %dma_wait3A_22 = tpu.memref_slice %arg3[%dma_wait3A, %dma_wait3A_21] : memref<640x128xf32, #tpu.memory_space<hbm>> -> memref<80x128xf32, #tpu.memory_space<hbm>>
      %dma_wait3A_23 = arith.constant 0 : i32
      %dma_wait3A_24 = arith.constant 0 : i32
      %dma_wait3A_25 = tpu.memref_slice %arg3[%dma_wait3A_23, %dma_wait3A_24] : memref<640x128xf32, #tpu.memory_space<hbm>> -> memref<80x128xf32, #tpu.memory_space<hbm>>
      tpu.wait_dma2 semaphore(%run_scoped3A : memref<!tpu.dma_semaphore, #tpu.memory_space<semaphore_mem>>) src(%dma_wait3A_25 : memref<80x128xf32, #tpu.memory_space<hbm>>) dst(%arg7 : memref<80x128xf32, #tpu.memory_space<vmem>>)
      tpu.yield
    }) : () -> ()
    %lt3A = arith.constant 10 : i32
    %lt3A_1 = arith.cmpi slt, %arg1, %lt3A : i32
    %convert_element_type3A = arith.extui %lt3A_1 : i1 to i32
    %cond3A = arith.constant 0 : i32
    %cond3A_2 = arith.cmpi ne, %convert_element_type3A, %cond3A : i32
    scf.if %cond3A_2 {
      %mul3A_16 = arith.constant 8 : i32
      %mul3A_17 = arith.muli %arg1, %mul3A_16 : i32
      "tpu.region"() ({
        %run_scoped3A = tpu.sem_alloc : memref<!tpu.dma_semaphore, #tpu.memory_space<semaphore_mem>>
        %dma_start3A = arith.constant 0 : i32
        %dma_start3A_18 = tpu.memref_slice %arg9[%mul3A_17, %dma_start3A] : memref<80x128xf32, #tpu.memory_space<vmem_shared>> -> memref<8x128xf32, #tpu.memory_space<vmem_shared>>
        %dma_start3A_19 = arith.constant 0 : i32
        %dma_start3A_20 = arith.constant 0 : i32
        %dma_start3A_21 = tpu.memref_slice %arg3[%dma_start3A_19, %dma_start3A_20] : memref<640x128xf32, #tpu.memory_space<hbm>> -> memref<8x128xf32, #tpu.memory_space<hbm>>
        tpu.enqueue_dma source(%dma_start3A_21 : memref<8x128xf32, #tpu.memory_space<hbm>>) target(%dma_start3A_18 : memref<8x128xf32, #tpu.memory_space<vmem_shared>>) target_semaphore(%run_scoped3A : memref<!tpu.dma_semaphore, #tpu.memory_space<semaphore_mem>>)
        %dma_wait3A = arith.constant 0 : i32
        %dma_wait3A_22 = tpu.memref_slice %arg9[%mul3A_17, %dma_wait3A] : memref<80x128xf32, #tpu.memory_space<vmem_shared>> -> memref<8x128xf32, #tpu.memory_space<vmem_shared>>
        %dma_wait3A_23 = arith.constant 0 : i32
        %dma_wait3A_24 = arith.constant 0 : i32
        %dma_wait3A_25 = tpu.memref_slice %arg3[%dma_wait3A_23, %dma_wait3A_24] : memref<640x128xf32, #tpu.memory_space<hbm>> -> memref<8x128xf32, #tpu.memory_space<hbm>>
        tpu.wait_dma2 semaphore(%run_scoped3A : memref<!tpu.dma_semaphore, #tpu.memory_space<semaphore_mem>>) src(%dma_wait3A_25 : memref<8x128xf32, #tpu.memory_space<hbm>>) dst(%dma_wait3A_22 : memref<8x128xf32, #tpu.memory_space<vmem_shared>>)
        tpu.yield
      }) : () -> ()
    } else {
    }
    "tpu.region"() ({
      %run_scoped3A = tpu.sem_alloc : memref<!tpu.dma_semaphore, #tpu.memory_space<semaphore_mem>>
      tpu.enqueue_dma source(%arg4 : memref<80xi32, #tpu.memory_space<hbm>>) target(%arg8 : memref<80xi32, #tpu.memory_space<vmem>>) target_semaphore(%run_scoped3A : memref<!tpu.dma_semaphore, #tpu.memory_space<semaphore_mem>>)
      tpu.wait_dma2 semaphore(%run_scoped3A : memref<!tpu.dma_semaphore, #tpu.memory_space<semaphore_mem>>) src(%arg4 : memref<80xi32, #tpu.memory_space<hbm>>) dst(%arg8 : memref<80xi32, #tpu.memory_space<vmem>>)
      tpu.yield
    }) : () -> ()
    %mul3A_3 = arith.constant 640 : i32
    %mul3A_4 = arith.muli %add3A, %mul3A_3 : i32
    "tpu.region"() ({
      %run_scoped3A = tpu.sem_alloc : memref<!tpu.dma_semaphore, #tpu.memory_space<semaphore_mem>>
      %dma_start3A = arith.constant 0 : i32
      %dma_start3A_16 = tpu.memref_slice %arg2[%mul3A_4, %dma_start3A] : memref<20480x16xi32, #tpu.memory_space<hbm>> -> memref<640x16xi32, #tpu.memory_space<hbm>>
      %dma_start3A_17 = arith.constant 0 : i32
      %dma_start3A_18 = tpu.memref_slice %arg2[%mul3A_4, %dma_start3A_17] : memref<20480x16xi32, #tpu.memory_space<hbm>> -> memref<640x16xi32, #tpu.memory_space<hbm>>
      tpu.enqueue_dma source(%dma_start3A_18 : memref<640x16xi32, #tpu.memory_space<hbm>>) target(%arg6 : memref<640x16xi32, #tpu.memory_space<vmem>>) target_semaphore(%run_scoped3A : memref<!tpu.dma_semaphore, #tpu.memory_space<semaphore_mem>>)
      %dma_wait3A = arith.constant 0 : i32
      %dma_wait3A_19 = tpu.memref_slice %arg2[%mul3A_4, %dma_wait3A] : memref<20480x16xi32, #tpu.memory_space<hbm>> -> memref<640x16xi32, #tpu.memory_space<hbm>>
      %dma_wait3A_20 = arith.constant 0 : i32
      %dma_wait3A_21 = tpu.memref_slice %arg2[%mul3A_4, %dma_wait3A_20] : memref<20480x16xi32, #tpu.memory_space<hbm>> -> memref<640x16xi32, #tpu.memory_space<hbm>>
      tpu.wait_dma2 semaphore(%run_scoped3A : memref<!tpu.dma_semaphore, #tpu.memory_space<semaphore_mem>>) src(%dma_wait3A_21 : memref<640x16xi32, #tpu.memory_space<hbm>>) dst(%arg6 : memref<640x16xi32, #tpu.memory_space<vmem>>)
      tpu.yield
    }) : () -> ()
    %barrier3A = arith.constant 0 : index
    tpu.barrier barrier_id(%barrier3A)
    %broadcast_in_dim3A = arith.constant 1.000000e+00 : f32
    %broadcast_in_dim3A_5 = vector.broadcast %broadcast_in_dim3A : f32 to vector<16xf32>
    %scan3A = arith.constant 0 : i32
    %scan3A_6 = arith.constant 640 : i32
    %scan3A_7 = arith.addi %scan3A, %scan3A_6 : i32
    %scan3A_8 = arith.constant 1 : i32
    scf.for %scan3A_16 = %scan3A to %scan3A_7 step %scan3A_8  : i32 {
      %mul3A_17 = arith.constant 1 : i32
      %mul3A_18 = arith.muli %scan3A_16, %mul3A_17 : i32
      %add3A_19 = arith.constant 0 : i32
      %add3A_20 = arith.addi %add3A_19, %mul3A_18 : i32
      %get3A = arith.index_cast %add3A_20 : i32 to index
      %get3A_21 = arith.constant 0 : index
      %get3A_22 = tpu.vector_load %arg6[%get3A, %get3A_21] {strides = array<i32>} : memref<640x16xi32, #tpu.memory_space<vmem>>, vector<16xi32>,
      %shift_right_logical3A = arith.constant 7 : i32
      %shift_right_logical3A_23 = vector.broadcast %shift_right_logical3A : i32 to vector<16xi32>
      %shift_right_logical3A_24 = arith.shrui %get3A_22, %shift_right_logical3A_23 : vector<16xi32>
      %and3A = arith.constant 127 : i32
      %and3A_25 = vector.broadcast %and3A : i32 to vector<16xi32>
      %and3A_26 = arith.andi %get3A_22, %and3A_25 : vector<16xi32>
      tpu.vector_store_idx %arg7[%shift_right_logical3A_24, %and3A_26], %broadcast_in_dim3A_5 {add = true} : memref<80x128xf32, #tpu.memory_space<vmem>>[vector<16xi32>, vector<16xi32>], vector<16xf32>,
    }
    %scan3A_9 = arith.constant 640 : i32
    "tpu.region"() ({
      %run_scoped3A = tpu.sem_alloc : memref<!tpu.dma_semaphore, #tpu.memory_space<semaphore_mem>>
      %dma_start3A = arith.constant 0 : i32
      %dma_start3A_16 = arith.constant 0 : i32
      %dma_start3A_17 = tpu.memref_slice %arg9[%dma_start3A, %dma_start3A_16] : memref<80x128xf32, #tpu.memory_space<vmem_shared>> -> memref<80x128xf32, #tpu.memory_space<vmem_shared>>
      tpu.enqueue_indirect_dma source(%arg7 : memref<80x128xf32, #tpu.memory_space<vmem>>) target(%dma_start3A_17 : memref<80x128xf32, #tpu.memory_space<vmem_shared>>) offsets(%arg8 : memref<80xi32, #tpu.memory_space<vmem>>) semaphore(%run_scoped3A : memref<!tpu.dma_semaphore, #tpu.memory_space<semaphore_mem>>) {add = true}
      %dma_wait3A = arith.constant 0 : i32
      %dma_wait3A_18 = arith.constant 0 : i32
      %dma_wait3A_19 = tpu.memref_slice %arg9[%dma_wait3A, %dma_wait3A_18] : memref<80x128xf32, #tpu.memory_space<vmem_shared>> -> memref<80x128xf32, #tpu.memory_space<vmem_shared>>
      tpu.wait_indirect_dma semaphore(%run_scoped3A : memref<!tpu.dma_semaphore, #tpu.memory_space<semaphore_mem>>) src(%arg7 : memref<80x128xf32, #tpu.memory_space<vmem>>) dst(%dma_wait3A_19 : memref<80x128xf32, #tpu.memory_space<vmem_shared>>)
      tpu.yield
    }) : () -> ()
    %barrier3A_10 = arith.constant 0 : index
    tpu.barrier barrier_id(%barrier3A_10)
    %lt3A_11 = arith.constant 10 : i32
    %lt3A_12 = arith.cmpi slt, %arg1, %lt3A_11 : i32
    %convert_element_type3A_13 = arith.extui %lt3A_12 : i1 to i32
    %cond3A_14 = arith.constant 0 : i32
    %cond3A_15 = arith.cmpi ne, %convert_element_type3A_13, %cond3A_14 : i32
    scf.if %cond3A_15 {
      %mul3A_16 = arith.constant 8 : i32
      %mul3A_17 = arith.muli %arg1, %mul3A_16 : i32
      %mul3A_18 = arith.constant 8 : i32
      %mul3A_19 = arith.muli %arg1, %mul3A_18 : i32
      "tpu.region"() ({
        %run_scoped3A = tpu.sem_alloc : memref<!tpu.dma_semaphore, #tpu.memory_space<semaphore_mem>>
        %dma_start3A = arith.constant 0 : i32
        %dma_start3A_20 = tpu.memref_slice %arg5[%arg0, %mul3A_19, %dma_start3A] : memref<2x80x128xf32, #tpu.memory_space<hbm>> -> memref<1x8x128xf32, #tpu.memory_space<hbm>>
        %dma_start3A_21 = tpu.memref_squeeze %dma_start3A_20 : memref<1x8x128xf32, #tpu.memory_space<hbm>> -> memref<8x128xf32, #tpu.memory_space<hbm>>
        %dma_start3A_22 = arith.constant 0 : i32
        %dma_start3A_23 = tpu.memref_slice %arg9[%mul3A_17, %dma_start3A_22] : memref<80x128xf32, #tpu.memory_space<vmem_shared>> -> memref<8x128xf32, #tpu.memory_space<vmem_shared>>
        tpu.enqueue_dma source(%dma_start3A_23 : memref<8x128xf32, #tpu.memory_space<vmem_shared>>) target(%dma_start3A_21 : memref<8x128xf32, #tpu.memory_space<hbm>>) target_semaphore(%run_scoped3A : memref<!tpu.dma_semaphore, #tpu.memory_space<semaphore_mem>>)
        %dma_wait3A = arith.constant 0 : i32
        %dma_wait3A_24 = tpu.memref_slice %arg5[%arg0, %mul3A_19, %dma_wait3A] : memref<2x80x128xf32, #tpu.memory_space<hbm>> -> memref<1x8x128xf32, #tpu.memory_space<hbm>>
        %dma_wait3A_25 = tpu.memref_squeeze %dma_wait3A_24 : memref<1x8x128xf32, #tpu.memory_space<hbm>> -> memref<8x128xf32, #tpu.memory_space<hbm>>
        %dma_wait3A_26 = arith.constant 0 : i32
        %dma_wait3A_27 = tpu.memref_slice %arg9[%mul3A_17, %dma_wait3A_26] : memref<80x128xf32, #tpu.memory_space<vmem_shared>> -> memref<8x128xf32, #tpu.memory_space<vmem_shared>>
        tpu.wait_dma2 semaphore(%run_scoped3A : memref<!tpu.dma_semaphore, #tpu.memory_space<semaphore_mem>>) src(%dma_wait3A_27 : memref<8x128xf32, #tpu.memory_space<vmem_shared>>) dst(%dma_wait3A_25 : memref<8x128xf32, #tpu.memory_space<hbm>>)
        tpu.yield
      }) : () -> ()
    } else {
    }
    return
  }
}

#map = affine_map<(d0, d1) -> (0, 0)>
#map1 = affine_map<(d0, d1) -> (0, 0, 0)>
module attributes {stable_mosaic.version = 14 : i64} {
  func.func @kern(%arg0: i32, %arg1: i32, %arg2: memref<10240x128xf32, #tpu.memory_space<hbm>>, %arg3: memref<2560x128xi32, #tpu.memory_space<hbm>>, %arg4: memref<2560x128xi32, #tpu.memory_space<hbm>>, %arg5: memref<640x128xf32, #tpu.memory_space<hbm>>, %arg6: memref<2x10240x128xf32, #tpu.memory_space<hbm>>, %arg7: memref<8x128xi32, #tpu.memory_space<vmem>>, %arg8: memref<8x128xi32, #tpu.memory_space<vmem>>, %arg9: memref<128x128xf32, #tpu.memory_space<vmem>>, %arg10: memref<128x128xf32, #tpu.memory_space<vmem>>, %arg11: memref<10240x128xf32, #tpu.memory_space<vmem_shared>>, %arg12: memref<!tpu.dma_semaphore, #tpu.memory_space<semaphore_mem>>, %arg13: memref<!tpu.dma_semaphore, #tpu.memory_space<semaphore_mem>>) attributes {dimension_semantics = [#tpu.dimension_semantics<core_parallel>, #tpu.dimension_semantics<subcore_parallel>], iteration_bounds = array<i64: 2, 16>, scalar_prefetch = 0 : i64, scratch_operands = 7 : i64, tpu.core_type = #tpu.core_type<sc_vector_subcore>, window_params = [{transform_indices = #map}, {transform_indices = #map}, {transform_indices = #map}, {transform_indices = #map}, {transform_indices = #map1}]} {
    %mul3A = arith.constant 2 : i32
    %mul3A_0 = arith.muli %arg1, %mul3A : i32
    %add3A = arith.addi %mul3A_0, %arg0 : i32
    %mul3A_1 = arith.constant 640 : i32
    %mul3A_2 = arith.muli %arg1, %mul3A_1 : i32
    "tpu.region"() ({
      %run_scoped3A = tpu.sem_alloc : memref<!tpu.dma_semaphore, #tpu.memory_space<semaphore_mem>>
      %dma_start3A = arith.constant 0 : i32
      %dma_start3A_12 = tpu.memref_slice %arg11[%mul3A_2, %dma_start3A] : memref<10240x128xf32, #tpu.memory_space<vmem_shared>> -> memref<640x128xf32, #tpu.memory_space<vmem_shared>>
      tpu.enqueue_dma source(%arg5 : memref<640x128xf32, #tpu.memory_space<hbm>>) target(%dma_start3A_12 : memref<640x128xf32, #tpu.memory_space<vmem_shared>>) target_semaphore(%run_scoped3A : memref<!tpu.dma_semaphore, #tpu.memory_space<semaphore_mem>>)
      %dma_wait3A = arith.constant 0 : i32
      %dma_wait3A_13 = tpu.memref_slice %arg11[%mul3A_2, %dma_wait3A] : memref<10240x128xf32, #tpu.memory_space<vmem_shared>> -> memref<640x128xf32, #tpu.memory_space<vmem_shared>>
      tpu.wait_dma2 semaphore(%run_scoped3A : memref<!tpu.dma_semaphore, #tpu.memory_space<semaphore_mem>>) src(%arg5 : memref<640x128xf32, #tpu.memory_space<hbm>>) dst(%dma_wait3A_13 : memref<640x128xf32, #tpu.memory_space<vmem_shared>>)
      tpu.yield
    }) : () -> ()
    %barrier3A = arith.constant 0 : index
    tpu.barrier barrier_id(%barrier3A)
    %scan3A = arith.constant 0 : i32
    %scan3A_3 = arith.constant 10 : i32
    %scan3A_4 = arith.addi %scan3A, %scan3A_3 : i32
    %scan3A_5 = arith.constant 1 : i32
    scf.for %scan3A_12 = %scan3A to %scan3A_4 step %scan3A_5  : i32 {
      %mul3A_13 = arith.constant 1 : i32
      %mul3A_14 = arith.muli %scan3A_12, %mul3A_13 : i32
      %add3A_15 = arith.constant 0 : i32
      %add3A_16 = arith.addi %add3A_15, %mul3A_14 : i32
      %mul3A_17 = arith.constant 80 : i32
      %mul3A_18 = arith.muli %add3A, %mul3A_17 : i32
      %mul3A_19 = arith.constant 8 : i32
      %mul3A_20 = arith.muli %add3A_16, %mul3A_19 : i32
      %add3A_21 = arith.addi %mul3A_18, %mul3A_20 : i32
      "tpu.region"() ({
        %run_scoped3A = tpu.sem_alloc : memref<!tpu.dma_semaphore, #tpu.memory_space<semaphore_mem>>
        %dma_start3A_33 = arith.constant 0 : i32
        %dma_start3A_34 = tpu.memref_slice %arg3[%add3A_21, %dma_start3A_33] : memref<2560x128xi32, #tpu.memory_space<hbm>> -> memref<8x128xi32, #tpu.memory_space<hbm>>
        %dma_start3A_35 = arith.constant 0 : i32
        %dma_start3A_36 = tpu.memref_slice %arg3[%add3A_21, %dma_start3A_35] : memref<2560x128xi32, #tpu.memory_space<hbm>> -> memref<8x128xi32, #tpu.memory_space<hbm>>
        tpu.enqueue_dma source(%dma_start3A_36 : memref<8x128xi32, #tpu.memory_space<hbm>>) target(%arg7 : memref<8x128xi32, #tpu.memory_space<vmem>>) target_semaphore(%run_scoped3A : memref<!tpu.dma_semaphore, #tpu.memory_space<semaphore_mem>>)
        %dma_wait3A = arith.constant 0 : i32
        %dma_wait3A_37 = tpu.memref_slice %arg3[%add3A_21, %dma_wait3A] : memref<2560x128xi32, #tpu.memory_space<hbm>> -> memref<8x128xi32, #tpu.memory_space<hbm>>
        %dma_wait3A_38 = arith.constant 0 : i32
        %dma_wait3A_39 = tpu.memref_slice %arg3[%add3A_21, %dma_wait3A_38] : memref<2560x128xi32, #tpu.memory_space<hbm>> -> memref<8x128xi32, #tpu.memory_space<hbm>>
        tpu.wait_dma2 semaphore(%run_scoped3A : memref<!tpu.dma_semaphore, #tpu.memory_space<semaphore_mem>>) src(%dma_wait3A_39 : memref<8x128xi32, #tpu.memory_space<hbm>>) dst(%arg7 : memref<8x128xi32, #tpu.memory_space<vmem>>)
        tpu.yield
      }) : () -> ()
      "tpu.region"() ({
        %run_scoped3A = tpu.sem_alloc : memref<!tpu.dma_semaphore, #tpu.memory_space<semaphore_mem>>
        %dma_start3A_33 = arith.constant 0 : i32
        %dma_start3A_34 = tpu.memref_slice %arg4[%add3A_21, %dma_start3A_33] : memref<2560x128xi32, #tpu.memory_space<hbm>> -> memref<8x128xi32, #tpu.memory_space<hbm>>
        %dma_start3A_35 = arith.constant 0 : i32
        %dma_start3A_36 = tpu.memref_slice %arg4[%add3A_21, %dma_start3A_35] : memref<2560x128xi32, #tpu.memory_space<hbm>> -> memref<8x128xi32, #tpu.memory_space<hbm>>
        tpu.enqueue_dma source(%dma_start3A_36 : memref<8x128xi32, #tpu.memory_space<hbm>>) target(%arg8 : memref<8x128xi32, #tpu.memory_space<vmem>>) target_semaphore(%run_scoped3A : memref<!tpu.dma_semaphore, #tpu.memory_space<semaphore_mem>>)
        %dma_wait3A = arith.constant 0 : i32
        %dma_wait3A_37 = tpu.memref_slice %arg4[%add3A_21, %dma_wait3A] : memref<2560x128xi32, #tpu.memory_space<hbm>> -> memref<8x128xi32, #tpu.memory_space<hbm>>
        %dma_wait3A_38 = arith.constant 0 : i32
        %dma_wait3A_39 = tpu.memref_slice %arg4[%add3A_21, %dma_wait3A_38] : memref<2560x128xi32, #tpu.memory_space<hbm>> -> memref<8x128xi32, #tpu.memory_space<hbm>>
        tpu.wait_dma2 semaphore(%run_scoped3A : memref<!tpu.dma_semaphore, #tpu.memory_space<semaphore_mem>>) src(%dma_wait3A_39 : memref<8x128xi32, #tpu.memory_space<hbm>>) dst(%arg8 : memref<8x128xi32, #tpu.memory_space<vmem>>)
        tpu.yield
      }) : () -> ()
      %dma_start3A = arith.constant 0 : i32
      %dma_start3A_22 = arith.constant 0 : i32
      %dma_start3A_23 = tpu.memref_slice %arg7[%dma_start3A, %dma_start3A_22] : memref<8x128xi32, #tpu.memory_space<vmem>> -> memref<1x128xi32, #tpu.memory_space<vmem>>
      %dma_start3A_24 = tpu.memref_squeeze %dma_start3A_23 : memref<1x128xi32, #tpu.memory_space<vmem>> -> memref<128xi32, #tpu.memory_space<vmem>>
      %dma_start3A_25 = arith.constant 0 : i32
      %dma_start3A_26 = arith.constant 0 : i32
      %dma_start3A_27 = tpu.memref_slice %arg2[%dma_start3A_25, %dma_start3A_26] : memref<10240x128xf32, #tpu.memory_space<hbm>> -> memref<10240x128xf32, #tpu.memory_space<hbm>>
      tpu.enqueue_indirect_dma source(%dma_start3A_27 : memref<10240x128xf32, #tpu.memory_space<hbm>>) target(%arg9 : memref<128x128xf32, #tpu.memory_space<vmem>>) offsets(%dma_start3A_24 : memref<128xi32, #tpu.memory_space<vmem>>) semaphore(%arg12 : memref<!tpu.dma_semaphore, #tpu.memory_space<semaphore_mem>>)
      %scan3A_28 = arith.constant 0 : i32
      %scan3A_29 = arith.constant 4 : i32
      %scan3A_30 = arith.addi %scan3A_28, %scan3A_29 : i32
      %scan3A_31 = arith.constant 1 : i32
      scf.for %scan3A_33 = %scan3A_28 to %scan3A_30 step %scan3A_31  : i32 {
        %mul3A_34 = arith.constant 2 : i32
        %mul3A_35 = arith.muli %scan3A_33, %mul3A_34 : i32
        %add3A_36 = arith.constant 0 : i32
        %add3A_37 = arith.addi %add3A_36, %mul3A_35 : i32
        %add3A_38 = arith.constant 1 : i32
        %add3A_39 = arith.addi %add3A_37, %add3A_38 : i32
        %dma_start3A_40 = arith.constant 0 : i32
        %dma_start3A_41 = tpu.memref_slice %arg7[%add3A_39, %dma_start3A_40] : memref<8x128xi32, #tpu.memory_space<vmem>> -> memref<1x128xi32, #tpu.memory_space<vmem>>
        %dma_start3A_42 = tpu.memref_squeeze %dma_start3A_41 : memref<1x128xi32, #tpu.memory_space<vmem>> -> memref<128xi32, #tpu.memory_space<vmem>>
        %dma_start3A_43 = arith.constant 0 : i32
        %dma_start3A_44 = arith.constant 0 : i32
        %dma_start3A_45 = tpu.memref_slice %arg2[%dma_start3A_43, %dma_start3A_44] : memref<10240x128xf32, #tpu.memory_space<hbm>> -> memref<10240x128xf32, #tpu.memory_space<hbm>>
        tpu.enqueue_indirect_dma source(%dma_start3A_45 : memref<10240x128xf32, #tpu.memory_space<hbm>>) target(%arg10 : memref<128x128xf32, #tpu.memory_space<vmem>>) offsets(%dma_start3A_42 : memref<128xi32, #tpu.memory_space<vmem>>) semaphore(%arg13 : memref<!tpu.dma_semaphore, #tpu.memory_space<semaphore_mem>>)
        %dma_wait3A = arith.constant 0 : i32
        %dma_wait3A_46 = tpu.memref_slice %arg7[%add3A_37, %dma_wait3A] : memref<8x128xi32, #tpu.memory_space<vmem>> -> memref<1x128xi32, #tpu.memory_space<vmem>>
        %dma_wait3A_47 = tpu.memref_squeeze %dma_wait3A_46 : memref<1x128xi32, #tpu.memory_space<vmem>> -> memref<128xi32, #tpu.memory_space<vmem>>
        %dma_wait3A_48 = arith.constant 0 : i32
        %dma_wait3A_49 = arith.constant 0 : i32
        %dma_wait3A_50 = tpu.memref_slice %arg2[%dma_wait3A_48, %dma_wait3A_49] : memref<10240x128xf32, #tpu.memory_space<hbm>> -> memref<10240x128xf32, #tpu.memory_space<hbm>>
        tpu.wait_indirect_dma semaphore(%arg12 : memref<!tpu.dma_semaphore, #tpu.memory_space<semaphore_mem>>) src(%dma_wait3A_50 : memref<10240x128xf32, #tpu.memory_space<hbm>>) dst(%arg9 : memref<128x128xf32, #tpu.memory_space<vmem>>)
        "tpu.region"() ({
          %run_scoped3A = tpu.sem_alloc : memref<!tpu.dma_semaphore, #tpu.memory_space<semaphore_mem>>
          %dma_start3A_65 = arith.constant 0 : i32
          %dma_start3A_66 = tpu.memref_slice %arg8[%add3A_37, %dma_start3A_65] : memref<8x128xi32, #tpu.memory_space<vmem>> -> memref<1x128xi32, #tpu.memory_space<vmem>>
          %dma_start3A_67 = tpu.memref_squeeze %dma_start3A_66 : memref<1x128xi32, #tpu.memory_space<vmem>> -> memref<128xi32, #tpu.memory_space<vmem>>
          %dma_start3A_68 = arith.constant 0 : i32
          %dma_start3A_69 = arith.constant 0 : i32
          %dma_start3A_70 = tpu.memref_slice %arg11[%dma_start3A_68, %dma_start3A_69] : memref<10240x128xf32, #tpu.memory_space<vmem_shared>> -> memref<10240x128xf32, #tpu.memory_space<vmem_shared>>
          tpu.enqueue_indirect_dma source(%arg9 : memref<128x128xf32, #tpu.memory_space<vmem>>) target(%dma_start3A_70 : memref<10240x128xf32, #tpu.memory_space<vmem_shared>>) offsets(%dma_start3A_67 : memref<128xi32, #tpu.memory_space<vmem>>) semaphore(%run_scoped3A : memref<!tpu.dma_semaphore, #tpu.memory_space<semaphore_mem>>) {add = true}
          %dma_wait3A_71 = arith.constant 0 : i32
          %dma_wait3A_72 = tpu.memref_slice %arg8[%add3A_37, %dma_wait3A_71] : memref<8x128xi32, #tpu.memory_space<vmem>> -> memref<1x128xi32, #tpu.memory_space<vmem>>
          %dma_wait3A_73 = tpu.memref_squeeze %dma_wait3A_72 : memref<1x128xi32, #tpu.memory_space<vmem>> -> memref<128xi32, #tpu.memory_space<vmem>>
          %dma_wait3A_74 = arith.constant 0 : i32
          %dma_wait3A_75 = arith.constant 0 : i32
          %dma_wait3A_76 = tpu.memref_slice %arg11[%dma_wait3A_74, %dma_wait3A_75] : memref<10240x128xf32, #tpu.memory_space<vmem_shared>> -> memref<10240x128xf32, #tpu.memory_space<vmem_shared>>
          tpu.wait_indirect_dma semaphore(%run_scoped3A : memref<!tpu.dma_semaphore, #tpu.memory_space<semaphore_mem>>) src(%arg9 : memref<128x128xf32, #tpu.memory_space<vmem>>) dst(%dma_wait3A_76 : memref<10240x128xf32, #tpu.memory_space<vmem_shared>>)
          tpu.yield
        }) : () -> ()
        %add3A_51 = arith.constant 2 : i32
        %add3A_52 = arith.addi %add3A_37, %add3A_51 : i32
        %lt3A = arith.constant 8 : i32
        %lt3A_53 = arith.cmpi slt, %add3A_52, %lt3A : i32
        %convert_element_type3A = arith.extui %lt3A_53 : i1 to i32
        %cond3A = arith.constant 0 : i32
        %cond3A_54 = arith.cmpi ne, %convert_element_type3A, %cond3A : i32
        scf.if %cond3A_54 {
          %add3A_65 = arith.constant 2 : i32
          %add3A_66 = arith.addi %add3A_37, %add3A_65 : i32
          %dma_start3A_67 = arith.constant 0 : i32
          %dma_start3A_68 = tpu.memref_slice %arg7[%add3A_66, %dma_start3A_67] : memref<8x128xi32, #tpu.memory_space<vmem>> -> memref<1x128xi32, #tpu.memory_space<vmem>>
          %dma_start3A_69 = tpu.memref_squeeze %dma_start3A_68 : memref<1x128xi32, #tpu.memory_space<vmem>> -> memref<128xi32, #tpu.memory_space<vmem>>
          %dma_start3A_70 = arith.constant 0 : i32
          %dma_start3A_71 = arith.constant 0 : i32
          %dma_start3A_72 = tpu.memref_slice %arg2[%dma_start3A_70, %dma_start3A_71] : memref<10240x128xf32, #tpu.memory_space<hbm>> -> memref<10240x128xf32, #tpu.memory_space<hbm>>
          tpu.enqueue_indirect_dma source(%dma_start3A_72 : memref<10240x128xf32, #tpu.memory_space<hbm>>) target(%arg9 : memref<128x128xf32, #tpu.memory_space<vmem>>) offsets(%dma_start3A_69 : memref<128xi32, #tpu.memory_space<vmem>>) semaphore(%arg12 : memref<!tpu.dma_semaphore, #tpu.memory_space<semaphore_mem>>)
        } else {
        }
        %add3A_55 = arith.constant 1 : i32
        %add3A_56 = arith.addi %add3A_37, %add3A_55 : i32
        %dma_wait3A_57 = arith.constant 0 : i32
        %dma_wait3A_58 = tpu.memref_slice %arg7[%add3A_56, %dma_wait3A_57] : memref<8x128xi32, #tpu.memory_space<vmem>> -> memref<1x128xi32, #tpu.memory_space<vmem>>
        %dma_wait3A_59 = tpu.memref_squeeze %dma_wait3A_58 : memref<1x128xi32, #tpu.memory_space<vmem>> -> memref<128xi32, #tpu.memory_space<vmem>>
        %dma_wait3A_60 = arith.constant 0 : i32
        %dma_wait3A_61 = arith.constant 0 : i32
        %dma_wait3A_62 = tpu.memref_slice %arg2[%dma_wait3A_60, %dma_wait3A_61] : memref<10240x128xf32, #tpu.memory_space<hbm>> -> memref<10240x128xf32, #tpu.memory_space<hbm>>
        tpu.wait_indirect_dma semaphore(%arg13 : memref<!tpu.dma_semaphore, #tpu.memory_space<semaphore_mem>>) src(%dma_wait3A_62 : memref<10240x128xf32, #tpu.memory_space<hbm>>) dst(%arg10 : memref<128x128xf32, #tpu.memory_space<vmem>>)
        %add3A_63 = arith.constant 1 : i32
        %add3A_64 = arith.addi %add3A_37, %add3A_63 : i32
        "tpu.region"() ({
          %run_scoped3A = tpu.sem_alloc : memref<!tpu.dma_semaphore, #tpu.memory_space<semaphore_mem>>
          %dma_start3A_65 = arith.constant 0 : i32
          %dma_start3A_66 = tpu.memref_slice %arg8[%add3A_64, %dma_start3A_65] : memref<8x128xi32, #tpu.memory_space<vmem>> -> memref<1x128xi32, #tpu.memory_space<vmem>>
          %dma_start3A_67 = tpu.memref_squeeze %dma_start3A_66 : memref<1x128xi32, #tpu.memory_space<vmem>> -> memref<128xi32, #tpu.memory_space<vmem>>
          %dma_start3A_68 = arith.constant 0 : i32
          %dma_start3A_69 = arith.constant 0 : i32
          %dma_start3A_70 = tpu.memref_slice %arg11[%dma_start3A_68, %dma_start3A_69] : memref<10240x128xf32, #tpu.memory_space<vmem_shared>> -> memref<10240x128xf32, #tpu.memory_space<vmem_shared>>
          tpu.enqueue_indirect_dma source(%arg10 : memref<128x128xf32, #tpu.memory_space<vmem>>) target(%dma_start3A_70 : memref<10240x128xf32, #tpu.memory_space<vmem_shared>>) offsets(%dma_start3A_67 : memref<128xi32, #tpu.memory_space<vmem>>) semaphore(%run_scoped3A : memref<!tpu.dma_semaphore, #tpu.memory_space<semaphore_mem>>) {add = true}
          %dma_wait3A_71 = arith.constant 0 : i32
          %dma_wait3A_72 = tpu.memref_slice %arg8[%add3A_64, %dma_wait3A_71] : memref<8x128xi32, #tpu.memory_space<vmem>> -> memref<1x128xi32, #tpu.memory_space<vmem>>
          %dma_wait3A_73 = tpu.memref_squeeze %dma_wait3A_72 : memref<1x128xi32, #tpu.memory_space<vmem>> -> memref<128xi32, #tpu.memory_space<vmem>>
          %dma_wait3A_74 = arith.constant 0 : i32
          %dma_wait3A_75 = arith.constant 0 : i32
          %dma_wait3A_76 = tpu.memref_slice %arg11[%dma_wait3A_74, %dma_wait3A_75] : memref<10240x128xf32, #tpu.memory_space<vmem_shared>> -> memref<10240x128xf32, #tpu.memory_space<vmem_shared>>
          tpu.wait_indirect_dma semaphore(%run_scoped3A : memref<!tpu.dma_semaphore, #tpu.memory_space<semaphore_mem>>) src(%arg10 : memref<128x128xf32, #tpu.memory_space<vmem>>) dst(%dma_wait3A_76 : memref<10240x128xf32, #tpu.memory_space<vmem_shared>>)
          tpu.yield
        }) : () -> ()
      }
      %scan3A_32 = arith.constant 4 : i32
    }
    %scan3A_6 = arith.constant 10 : i32
    %barrier3A_7 = arith.constant 0 : index
    tpu.barrier barrier_id(%barrier3A_7)
    %mul3A_8 = arith.constant 640 : i32
    %mul3A_9 = arith.muli %arg1, %mul3A_8 : i32
    %mul3A_10 = arith.constant 640 : i32
    %mul3A_11 = arith.muli %arg1, %mul3A_10 : i32
    "tpu.region"() ({
      %run_scoped3A = tpu.sem_alloc : memref<!tpu.dma_semaphore, #tpu.memory_space<semaphore_mem>>
      %dma_start3A = arith.constant 0 : i32
      %dma_start3A_12 = tpu.memref_slice %arg6[%arg0, %mul3A_11, %dma_start3A] : memref<2x10240x128xf32, #tpu.memory_space<hbm>> -> memref<1x640x128xf32, #tpu.memory_space<hbm>>
      %dma_start3A_13 = tpu.memref_squeeze %dma_start3A_12 : memref<1x640x128xf32, #tpu.memory_space<hbm>> -> memref<640x128xf32, #tpu.memory_space<hbm>>
      %dma_start3A_14 = arith.constant 0 : i32
      %dma_start3A_15 = tpu.memref_slice %arg11[%mul3A_9, %dma_start3A_14] : memref<10240x128xf32, #tpu.memory_space<vmem_shared>> -> memref<640x128xf32, #tpu.memory_space<vmem_shared>>
      tpu.enqueue_dma source(%dma_start3A_15 : memref<640x128xf32, #tpu.memory_space<vmem_shared>>) target(%dma_start3A_13 : memref<640x128xf32, #tpu.memory_space<hbm>>) target_semaphore(%run_scoped3A : memref<!tpu.dma_semaphore, #tpu.memory_space<semaphore_mem>>)
      %dma_wait3A = arith.constant 0 : i32
      %dma_wait3A_16 = tpu.memref_slice %arg6[%arg0, %mul3A_11, %dma_wait3A] : memref<2x10240x128xf32, #tpu.memory_space<hbm>> -> memref<1x640x128xf32, #tpu.memory_space<hbm>>
      %dma_wait3A_17 = tpu.memref_squeeze %dma_wait3A_16 : memref<1x640x128xf32, #tpu.memory_space<hbm>> -> memref<640x128xf32, #tpu.memory_space<hbm>>
      %dma_wait3A_18 = arith.constant 0 : i32
      %dma_wait3A_19 = tpu.memref_slice %arg11[%mul3A_9, %dma_wait3A_18] : memref<10240x128xf32, #tpu.memory_space<vmem_shared>> -> memref<640x128xf32, #tpu.memory_space<vmem_shared>>
      tpu.wait_dma2 semaphore(%run_scoped3A : memref<!tpu.dma_semaphore, #tpu.memory_space<semaphore_mem>>) src(%dma_wait3A_19 : memref<640x128xf32, #tpu.memory_space<vmem_shared>>) dst(%dma_wait3A_17 : memref<640x128xf32, #tpu.memory_space<hbm>>)
      tpu.yield
    }) : () -> ()
    return
  }
}

#map = affine_map<(d0, d1) -> (0, 0)>
#map1 = affine_map<(d0, d1) -> (0, 0, 0)>
module attributes {stable_mosaic.version = 14 : i64} {
  func.func @kern(%arg0: i32, %arg1: i32, %arg2: memref<10240x128xf32, #tpu.memory_space<hbm>>, %arg3: memref<2560x128xi32, #tpu.memory_space<hbm>>, %arg4: memref<2560x128xi32, #tpu.memory_space<hbm>>, %arg5: memref<640x128xf32, #tpu.memory_space<hbm>>, %arg6: memref<2x10240x128xf32, #tpu.memory_space<hbm>>, %arg7: memref<8x128xi32, #tpu.memory_space<vmem>>, %arg8: memref<8x128xi32, #tpu.memory_space<vmem>>, %arg9: memref<128x128xf32, #tpu.memory_space<vmem>>, %arg10: memref<128x128xf32, #tpu.memory_space<vmem>>, %arg11: memref<10240x128xf32, #tpu.memory_space<vmem_shared>>, %arg12: memref<!tpu.dma_semaphore, #tpu.memory_space<semaphore_mem>>, %arg13: memref<!tpu.dma_semaphore, #tpu.memory_space<semaphore_mem>>) attributes {dimension_semantics = [#tpu.dimension_semantics<core_parallel>, #tpu.dimension_semantics<subcore_parallel>], iteration_bounds = array<i64: 2, 16>, scalar_prefetch = 0 : i64, scratch_operands = 7 : i64, tpu.core_type = #tpu.core_type<sc_vector_subcore>, window_params = [{transform_indices = #map}, {transform_indices = #map}, {transform_indices = #map}, {transform_indices = #map}, {transform_indices = #map1}]} {
    %mul3A = arith.constant 2 : i32
    %mul3A_0 = arith.muli %arg1, %mul3A : i32
    %add3A = arith.addi %mul3A_0, %arg0 : i32
    %mul3A_1 = arith.constant 640 : i32
    %mul3A_2 = arith.muli %arg1, %mul3A_1 : i32
    "tpu.region"() ({
      %run_scoped3A = tpu.sem_alloc : memref<!tpu.dma_semaphore, #tpu.memory_space<semaphore_mem>>
      %dma_start3A = arith.constant 0 : i32
      %dma_start3A_12 = tpu.memref_slice %arg11[%mul3A_2, %dma_start3A] : memref<10240x128xf32, #tpu.memory_space<vmem_shared>> -> memref<640x128xf32, #tpu.memory_space<vmem_shared>>
      tpu.enqueue_dma source(%arg5 : memref<640x128xf32, #tpu.memory_space<hbm>>) target(%dma_start3A_12 : memref<640x128xf32, #tpu.memory_space<vmem_shared>>) target_semaphore(%run_scoped3A : memref<!tpu.dma_semaphore, #tpu.memory_space<semaphore_mem>>)
      %dma_wait3A = arith.constant 0 : i32
      %dma_wait3A_13 = tpu.memref_slice %arg11[%mul3A_2, %dma_wait3A] : memref<10240x128xf32, #tpu.memory_space<vmem_shared>> -> memref<640x128xf32, #tpu.memory_space<vmem_shared>>
      tpu.wait_dma2 semaphore(%run_scoped3A : memref<!tpu.dma_semaphore, #tpu.memory_space<semaphore_mem>>) src(%arg5 : memref<640x128xf32, #tpu.memory_space<hbm>>) dst(%dma_wait3A_13 : memref<640x128xf32, #tpu.memory_space<vmem_shared>>)
      tpu.yield
    }) : () -> ()
    %barrier3A = arith.constant 0 : index
    tpu.barrier barrier_id(%barrier3A)
    %scan3A = arith.constant 0 : i32
    %scan3A_3 = arith.constant 10 : i32
    %scan3A_4 = arith.addi %scan3A, %scan3A_3 : i32
    %scan3A_5 = arith.constant 1 : i32
    scf.for %scan3A_12 = %scan3A to %scan3A_4 step %scan3A_5  : i32 {
      %mul3A_13 = arith.constant 1 : i32
      %mul3A_14 = arith.muli %scan3A_12, %mul3A_13 : i32
      %add3A_15 = arith.constant 0 : i32
      %add3A_16 = arith.addi %add3A_15, %mul3A_14 : i32
      %mul3A_17 = arith.constant 80 : i32
      %mul3A_18 = arith.muli %add3A, %mul3A_17 : i32
      %mul3A_19 = arith.constant 8 : i32
      %mul3A_20 = arith.muli %add3A_16, %mul3A_19 : i32
      %add3A_21 = arith.addi %mul3A_18, %mul3A_20 : i32
      "tpu.region"() ({
        %run_scoped3A = tpu.sem_alloc : memref<!tpu.dma_semaphore, #tpu.memory_space<semaphore_mem>>
        %dma_start3A_33 = arith.constant 0 : i32
        %dma_start3A_34 = tpu.memref_slice %arg3[%add3A_21, %dma_start3A_33] : memref<2560x128xi32, #tpu.memory_space<hbm>> -> memref<8x128xi32, #tpu.memory_space<hbm>>
        %dma_start3A_35 = arith.constant 0 : i32
        %dma_start3A_36 = tpu.memref_slice %arg3[%add3A_21, %dma_start3A_35] : memref<2560x128xi32, #tpu.memory_space<hbm>> -> memref<8x128xi32, #tpu.memory_space<hbm>>
        tpu.enqueue_dma source(%dma_start3A_36 : memref<8x128xi32, #tpu.memory_space<hbm>>) target(%arg7 : memref<8x128xi32, #tpu.memory_space<vmem>>) target_semaphore(%run_scoped3A : memref<!tpu.dma_semaphore, #tpu.memory_space<semaphore_mem>>)
        %dma_wait3A = arith.constant 0 : i32
        %dma_wait3A_37 = tpu.memref_slice %arg3[%add3A_21, %dma_wait3A] : memref<2560x128xi32, #tpu.memory_space<hbm>> -> memref<8x128xi32, #tpu.memory_space<hbm>>
        %dma_wait3A_38 = arith.constant 0 : i32
        %dma_wait3A_39 = tpu.memref_slice %arg3[%add3A_21, %dma_wait3A_38] : memref<2560x128xi32, #tpu.memory_space<hbm>> -> memref<8x128xi32, #tpu.memory_space<hbm>>
        tpu.wait_dma2 semaphore(%run_scoped3A : memref<!tpu.dma_semaphore, #tpu.memory_space<semaphore_mem>>) src(%dma_wait3A_39 : memref<8x128xi32, #tpu.memory_space<hbm>>) dst(%arg7 : memref<8x128xi32, #tpu.memory_space<vmem>>)
        tpu.yield
      }) : () -> ()
      "tpu.region"() ({
        %run_scoped3A = tpu.sem_alloc : memref<!tpu.dma_semaphore, #tpu.memory_space<semaphore_mem>>
        %dma_start3A_33 = arith.constant 0 : i32
        %dma_start3A_34 = tpu.memref_slice %arg4[%add3A_21, %dma_start3A_33] : memref<2560x128xi32, #tpu.memory_space<hbm>> -> memref<8x128xi32, #tpu.memory_space<hbm>>
        %dma_start3A_35 = arith.constant 0 : i32
        %dma_start3A_36 = tpu.memref_slice %arg4[%add3A_21, %dma_start3A_35] : memref<2560x128xi32, #tpu.memory_space<hbm>> -> memref<8x128xi32, #tpu.memory_space<hbm>>
        tpu.enqueue_dma source(%dma_start3A_36 : memref<8x128xi32, #tpu.memory_space<hbm>>) target(%arg8 : memref<8x128xi32, #tpu.memory_space<vmem>>) target_semaphore(%run_scoped3A : memref<!tpu.dma_semaphore, #tpu.memory_space<semaphore_mem>>)
        %dma_wait3A = arith.constant 0 : i32
        %dma_wait3A_37 = tpu.memref_slice %arg4[%add3A_21, %dma_wait3A] : memref<2560x128xi32, #tpu.memory_space<hbm>> -> memref<8x128xi32, #tpu.memory_space<hbm>>
        %dma_wait3A_38 = arith.constant 0 : i32
        %dma_wait3A_39 = tpu.memref_slice %arg4[%add3A_21, %dma_wait3A_38] : memref<2560x128xi32, #tpu.memory_space<hbm>> -> memref<8x128xi32, #tpu.memory_space<hbm>>
        tpu.wait_dma2 semaphore(%run_scoped3A : memref<!tpu.dma_semaphore, #tpu.memory_space<semaphore_mem>>) src(%dma_wait3A_39 : memref<8x128xi32, #tpu.memory_space<hbm>>) dst(%arg8 : memref<8x128xi32, #tpu.memory_space<vmem>>)
        tpu.yield
      }) : () -> ()
      %dma_start3A = arith.constant 0 : i32
      %dma_start3A_22 = arith.constant 0 : i32
      %dma_start3A_23 = tpu.memref_slice %arg7[%dma_start3A, %dma_start3A_22] : memref<8x128xi32, #tpu.memory_space<vmem>> -> memref<1x128xi32, #tpu.memory_space<vmem>>
      %dma_start3A_24 = tpu.memref_squeeze %dma_start3A_23 : memref<1x128xi32, #tpu.memory_space<vmem>> -> memref<128xi32, #tpu.memory_space<vmem>>
      %dma_start3A_25 = arith.constant 0 : i32
      %dma_start3A_26 = arith.constant 0 : i32
      %dma_start3A_27 = tpu.memref_slice %arg2[%dma_start3A_25, %dma_start3A_26] : memref<10240x128xf32, #tpu.memory_space<hbm>> -> memref<10240x128xf32, #tpu.memory_space<hbm>>
      tpu.enqueue_indirect_dma source(%dma_start3A_27 : memref<10240x128xf32, #tpu.memory_space<hbm>>) target(%arg9 : memref<128x128xf32, #tpu.memory_space<vmem>>) offsets(%dma_start3A_24 : memref<128xi32, #tpu.memory_space<vmem>>) semaphore(%arg12 : memref<!tpu.dma_semaphore, #tpu.memory_space<semaphore_mem>>)
      %scan3A_28 = arith.constant 0 : i32
      %scan3A_29 = arith.constant 4 : i32
      %scan3A_30 = arith.addi %scan3A_28, %scan3A_29 : i32
      %scan3A_31 = arith.constant 1 : i32
      scf.for %scan3A_33 = %scan3A_28 to %scan3A_30 step %scan3A_31  : i32 {
        %mul3A_34 = arith.constant 2 : i32
        %mul3A_35 = arith.muli %scan3A_33, %mul3A_34 : i32
        %add3A_36 = arith.constant 0 : i32
        %add3A_37 = arith.addi %add3A_36, %mul3A_35 : i32
        %add3A_38 = arith.constant 1 : i32
        %add3A_39 = arith.addi %add3A_37, %add3A_38 : i32
        %dma_start3A_40 = arith.constant 0 : i32
        %dma_start3A_41 = tpu.memref_slice %arg7[%add3A_39, %dma_start3A_40] : memref<8x128xi32, #tpu.memory_space<vmem>> -> memref<1x128xi32, #tpu.memory_space<vmem>>
        %dma_start3A_42 = tpu.memref_squeeze %dma_start3A_41 : memref<1x128xi32, #tpu.memory_space<vmem>> -> memref<128xi32, #tpu.memory_space<vmem>>
        %dma_start3A_43 = arith.constant 0 : i32
        %dma_start3A_44 = arith.constant 0 : i32
        %dma_start3A_45 = tpu.memref_slice %arg2[%dma_start3A_43, %dma_start3A_44] : memref<10240x128xf32, #tpu.memory_space<hbm>> -> memref<10240x128xf32, #tpu.memory_space<hbm>>
        tpu.enqueue_indirect_dma source(%dma_start3A_45 : memref<10240x128xf32, #tpu.memory_space<hbm>>) target(%arg10 : memref<128x128xf32, #tpu.memory_space<vmem>>) offsets(%dma_start3A_42 : memref<128xi32, #tpu.memory_space<vmem>>) semaphore(%arg13 : memref<!tpu.dma_semaphore, #tpu.memory_space<semaphore_mem>>)
        %dma_wait3A = arith.constant 0 : i32
        %dma_wait3A_46 = tpu.memref_slice %arg7[%add3A_37, %dma_wait3A] : memref<8x128xi32, #tpu.memory_space<vmem>> -> memref<1x128xi32, #tpu.memory_space<vmem>>
        %dma_wait3A_47 = tpu.memref_squeeze %dma_wait3A_46 : memref<1x128xi32, #tpu.memory_space<vmem>> -> memref<128xi32, #tpu.memory_space<vmem>>
        %dma_wait3A_48 = arith.constant 0 : i32
        %dma_wait3A_49 = arith.constant 0 : i32
        %dma_wait3A_50 = tpu.memref_slice %arg2[%dma_wait3A_48, %dma_wait3A_49] : memref<10240x128xf32, #tpu.memory_space<hbm>> -> memref<10240x128xf32, #tpu.memory_space<hbm>>
        tpu.wait_indirect_dma semaphore(%arg12 : memref<!tpu.dma_semaphore, #tpu.memory_space<semaphore_mem>>) src(%dma_wait3A_50 : memref<10240x128xf32, #tpu.memory_space<hbm>>) dst(%arg9 : memref<128x128xf32, #tpu.memory_space<vmem>>)
        "tpu.region"() ({
          %run_scoped3A = tpu.sem_alloc : memref<!tpu.dma_semaphore, #tpu.memory_space<semaphore_mem>>
          %dma_start3A_65 = arith.constant 0 : i32
          %dma_start3A_66 = tpu.memref_slice %arg8[%add3A_37, %dma_start3A_65] : memref<8x128xi32, #tpu.memory_space<vmem>> -> memref<1x128xi32, #tpu.memory_space<vmem>>
          %dma_start3A_67 = tpu.memref_squeeze %dma_start3A_66 : memref<1x128xi32, #tpu.memory_space<vmem>> -> memref<128xi32, #tpu.memory_space<vmem>>
          %dma_start3A_68 = arith.constant 0 : i32
          %dma_start3A_69 = arith.constant 0 : i32
          %dma_start3A_70 = tpu.memref_slice %arg11[%dma_start3A_68, %dma_start3A_69] : memref<10240x128xf32, #tpu.memory_space<vmem_shared>> -> memref<10240x128xf32, #tpu.memory_space<vmem_shared>>
          tpu.enqueue_indirect_dma source(%arg9 : memref<128x128xf32, #tpu.memory_space<vmem>>) target(%dma_start3A_70 : memref<10240x128xf32, #tpu.memory_space<vmem_shared>>) offsets(%dma_start3A_67 : memref<128xi32, #tpu.memory_space<vmem>>) semaphore(%run_scoped3A : memref<!tpu.dma_semaphore, #tpu.memory_space<semaphore_mem>>) {add = true}
          %dma_wait3A_71 = arith.constant 0 : i32
          %dma_wait3A_72 = tpu.memref_slice %arg8[%add3A_37, %dma_wait3A_71] : memref<8x128xi32, #tpu.memory_space<vmem>> -> memref<1x128xi32, #tpu.memory_space<vmem>>
          %dma_wait3A_73 = tpu.memref_squeeze %dma_wait3A_72 : memref<1x128xi32, #tpu.memory_space<vmem>> -> memref<128xi32, #tpu.memory_space<vmem>>
          %dma_wait3A_74 = arith.constant 0 : i32
          %dma_wait3A_75 = arith.constant 0 : i32
          %dma_wait3A_76 = tpu.memref_slice %arg11[%dma_wait3A_74, %dma_wait3A_75] : memref<10240x128xf32, #tpu.memory_space<vmem_shared>> -> memref<10240x128xf32, #tpu.memory_space<vmem_shared>>
          tpu.wait_indirect_dma semaphore(%run_scoped3A : memref<!tpu.dma_semaphore, #tpu.memory_space<semaphore_mem>>) src(%arg9 : memref<128x128xf32, #tpu.memory_space<vmem>>) dst(%dma_wait3A_76 : memref<10240x128xf32, #tpu.memory_space<vmem_shared>>)
          tpu.yield
        }) : () -> ()
        %add3A_51 = arith.constant 2 : i32
        %add3A_52 = arith.addi %add3A_37, %add3A_51 : i32
        %lt3A = arith.constant 8 : i32
        %lt3A_53 = arith.cmpi slt, %add3A_52, %lt3A : i32
        %convert_element_type3A = arith.extui %lt3A_53 : i1 to i32
        %cond3A = arith.constant 0 : i32
        %cond3A_54 = arith.cmpi ne, %convert_element_type3A, %cond3A : i32
        scf.if %cond3A_54 {
          %add3A_65 = arith.constant 2 : i32
          %add3A_66 = arith.addi %add3A_37, %add3A_65 : i32
          %dma_start3A_67 = arith.constant 0 : i32
          %dma_start3A_68 = tpu.memref_slice %arg7[%add3A_66, %dma_start3A_67] : memref<8x128xi32, #tpu.memory_space<vmem>> -> memref<1x128xi32, #tpu.memory_space<vmem>>
          %dma_start3A_69 = tpu.memref_squeeze %dma_start3A_68 : memref<1x128xi32, #tpu.memory_space<vmem>> -> memref<128xi32, #tpu.memory_space<vmem>>
          %dma_start3A_70 = arith.constant 0 : i32
          %dma_start3A_71 = arith.constant 0 : i32
          %dma_start3A_72 = tpu.memref_slice %arg2[%dma_start3A_70, %dma_start3A_71] : memref<10240x128xf32, #tpu.memory_space<hbm>> -> memref<10240x128xf32, #tpu.memory_space<hbm>>
          tpu.enqueue_indirect_dma source(%dma_start3A_72 : memref<10240x128xf32, #tpu.memory_space<hbm>>) target(%arg9 : memref<128x128xf32, #tpu.memory_space<vmem>>) offsets(%dma_start3A_69 : memref<128xi32, #tpu.memory_space<vmem>>) semaphore(%arg12 : memref<!tpu.dma_semaphore, #tpu.memory_space<semaphore_mem>>)
        } else {
        }
        %add3A_55 = arith.constant 1 : i32
        %add3A_56 = arith.addi %add3A_37, %add3A_55 : i32
        %dma_wait3A_57 = arith.constant 0 : i32
        %dma_wait3A_58 = tpu.memref_slice %arg7[%add3A_56, %dma_wait3A_57] : memref<8x128xi32, #tpu.memory_space<vmem>> -> memref<1x128xi32, #tpu.memory_space<vmem>>
        %dma_wait3A_59 = tpu.memref_squeeze %dma_wait3A_58 : memref<1x128xi32, #tpu.memory_space<vmem>> -> memref<128xi32, #tpu.memory_space<vmem>>
        %dma_wait3A_60 = arith.constant 0 : i32
        %dma_wait3A_61 = arith.constant 0 : i32
        %dma_wait3A_62 = tpu.memref_slice %arg2[%dma_wait3A_60, %dma_wait3A_61] : memref<10240x128xf32, #tpu.memory_space<hbm>> -> memref<10240x128xf32, #tpu.memory_space<hbm>>
        tpu.wait_indirect_dma semaphore(%arg13 : memref<!tpu.dma_semaphore, #tpu.memory_space<semaphore_mem>>) src(%dma_wait3A_62 : memref<10240x128xf32, #tpu.memory_space<hbm>>) dst(%arg10 : memref<128x128xf32, #tpu.memory_space<vmem>>)
        %add3A_63 = arith.constant 1 : i32
        %add3A_64 = arith.addi %add3A_37, %add3A_63 : i32
        "tpu.region"() ({
          %run_scoped3A = tpu.sem_alloc : memref<!tpu.dma_semaphore, #tpu.memory_space<semaphore_mem>>
          %dma_start3A_65 = arith.constant 0 : i32
          %dma_start3A_66 = tpu.memref_slice %arg8[%add3A_64, %dma_start3A_65] : memref<8x128xi32, #tpu.memory_space<vmem>> -> memref<1x128xi32, #tpu.memory_space<vmem>>
          %dma_start3A_67 = tpu.memref_squeeze %dma_start3A_66 : memref<1x128xi32, #tpu.memory_space<vmem>> -> memref<128xi32, #tpu.memory_space<vmem>>
          %dma_start3A_68 = arith.constant 0 : i32
          %dma_start3A_69 = arith.constant 0 : i32
          %dma_start3A_70 = tpu.memref_slice %arg11[%dma_start3A_68, %dma_start3A_69] : memref<10240x128xf32, #tpu.memory_space<vmem_shared>> -> memref<10240x128xf32, #tpu.memory_space<vmem_shared>>
          tpu.enqueue_indirect_dma source(%arg10 : memref<128x128xf32, #tpu.memory_space<vmem>>) target(%dma_start3A_70 : memref<10240x128xf32, #tpu.memory_space<vmem_shared>>) offsets(%dma_start3A_67 : memref<128xi32, #tpu.memory_space<vmem>>) semaphore(%run_scoped3A : memref<!tpu.dma_semaphore, #tpu.memory_space<semaphore_mem>>) {add = true}
          %dma_wait3A_71 = arith.constant 0 : i32
          %dma_wait3A_72 = tpu.memref_slice %arg8[%add3A_64, %dma_wait3A_71] : memref<8x128xi32, #tpu.memory_space<vmem>> -> memref<1x128xi32, #tpu.memory_space<vmem>>
          %dma_wait3A_73 = tpu.memref_squeeze %dma_wait3A_72 : memref<1x128xi32, #tpu.memory_space<vmem>> -> memref<128xi32, #tpu.memory_space<vmem>>
          %dma_wait3A_74 = arith.constant 0 : i32
          %dma_wait3A_75 = arith.constant 0 : i32
          %dma_wait3A_76 = tpu.memref_slice %arg11[%dma_wait3A_74, %dma_wait3A_75] : memref<10240x128xf32, #tpu.memory_space<vmem_shared>> -> memref<10240x128xf32, #tpu.memory_space<vmem_shared>>
          tpu.wait_indirect_dma semaphore(%run_scoped3A : memref<!tpu.dma_semaphore, #tpu.memory_space<semaphore_mem>>) src(%arg10 : memref<128x128xf32, #tpu.memory_space<vmem>>) dst(%dma_wait3A_76 : memref<10240x128xf32, #tpu.memory_space<vmem_shared>>)
          tpu.yield
        }) : () -> ()
      }
      %scan3A_32 = arith.constant 4 : i32
    }
    %scan3A_6 = arith.constant 10 : i32
    %barrier3A_7 = arith.constant 0 : index
    tpu.barrier barrier_id(%barrier3A_7)
    %mul3A_8 = arith.constant 640 : i32
    %mul3A_9 = arith.muli %arg1, %mul3A_8 : i32
    %mul3A_10 = arith.constant 640 : i32
    %mul3A_11 = arith.muli %arg1, %mul3A_10 : i32
    "tpu.region"() ({
      %run_scoped3A = tpu.sem_alloc : memref<!tpu.dma_semaphore, #tpu.memory_space<semaphore_mem>>
      %dma_start3A = arith.constant 0 : i32
      %dma_start3A_12 = tpu.memref_slice %arg6[%arg0, %mul3A_11, %dma_start3A] : memref<2x10240x128xf32, #tpu.memory_space<hbm>> -> memref<1x640x128xf32, #tpu.memory_space<hbm>>
      %dma_start3A_13 = tpu.memref_squeeze %dma_start3A_12 : memref<1x640x128xf32, #tpu.memory_space<hbm>> -> memref<640x128xf32, #tpu.memory_space<hbm>>
      %dma_start3A_14 = arith.constant 0 : i32
      %dma_start3A_15 = tpu.memref_slice %arg11[%mul3A_9, %dma_start3A_14] : memref<10240x128xf32, #tpu.memory_space<vmem_shared>> -> memref<640x128xf32, #tpu.memory_space<vmem_shared>>
      tpu.enqueue_dma source(%dma_start3A_15 : memref<640x128xf32, #tpu.memory_space<vmem_shared>>) target(%dma_start3A_13 : memref<640x128xf32, #tpu.memory_space<hbm>>) target_semaphore(%run_scoped3A : memref<!tpu.dma_semaphore, #tpu.memory_space<semaphore_mem>>)
      %dma_wait3A = arith.constant 0 : i32
      %dma_wait3A_16 = tpu.memref_slice %arg6[%arg0, %mul3A_11, %dma_wait3A] : memref<2x10240x128xf32, #tpu.memory_space<hbm>> -> memref<1x640x128xf32, #tpu.memory_space<hbm>>
      %dma_wait3A_17 = tpu.memref_squeeze %dma_wait3A_16 : memref<1x640x128xf32, #tpu.memory_space<hbm>> -> memref<640x128xf32, #tpu.memory_space<hbm>>
      %dma_wait3A_18 = arith.constant 0 : i32
      %dma_wait3A_19 = tpu.memref_slice %arg11[%mul3A_9, %dma_wait3A_18] : memref<10240x128xf32, #tpu.memory_space<vmem_shared>> -> memref<640x128xf32, #tpu.memory_space<vmem_shared>>
      tpu.wait_dma2 semaphore(%run_scoped3A : memref<!tpu.dma_semaphore, #tpu.memory_space<semaphore_mem>>) src(%dma_wait3A_19 : memref<640x128xf32, #tpu.memory_space<vmem_shared>>) dst(%dma_wait3A_17 : memref<640x128xf32, #tpu.memory_space<hbm>>)
      tpu.yield
    }) : () -> ()
    return
  }
}

module attributes {stable_mosaic.version = 14 : i64} {
  func.func @body(%arg0: i32, %arg1: memref<320x128xf32, #tpu.memory_space<vmem>>, %arg2: memref<128x128xf32, #tpu.memory_space<vmem>>, %arg3: memref<320x128xf32, #tpu.memory_space<vmem>>) attributes {dimension_semantics = [#tpu.dimension_semantics<arbitrary>], iteration_bounds = array<i64: 32>, scalar_prefetch = 0 : i64, scratch_operands = 0 : i64, tpu.core_type = #tpu.core_type<tc>, window_params = [{transform_indices = @transform_0, window_bounds = array<i64: 320, 128>}, {pipeline_mode = #tpu.pipeline_mode<synchronous>, transform_indices = @transform_1, window_bounds = array<i64: 128, 128>}, {transform_indices = @transform_2, window_bounds = array<i64: 320, 128>}]} {
    %get3A = arith.constant 0 : index
    %get3A_0 = arith.constant 0 : index
    %get3A_1 = vector.load %arg1[%get3A, %get3A_0] : memref<320x128xf32, #tpu.memory_space<vmem>>, vector<320x128xf32>
    %get3A_2 = arith.constant 0 : index
    %get3A_3 = arith.constant 0 : index
    %get3A_4 = vector.load %arg2[%get3A_2, %get3A_3] : memref<128x128xf32, #tpu.memory_space<vmem>>, vector<128x128xf32>
    %dot_general3A = arith.constant dense<0.000000e+00> : vector<320x128xf32>
    %dot_general3A_5 = tpu.matmul %get3A_1, %get3A_4, %dot_general3A {dimension_numbers = #tpu.dot_dimension_numbers<[1], [0], [0], [1], [0, 0, 1, 1], [], []>, transpose_lhs_hint = false} : vector<320x128xf32>, vector<128x128xf32>, vector<320x128xf32> -> vector<320x128xf32>
    %swap3A = arith.constant 0 : index
    %swap3A_6 = arith.constant 0 : index
    %swap3A_7 = vector.load %arg3[%swap3A, %swap3A_6] : memref<320x128xf32, #tpu.memory_space<vmem>>, vector<320x128xf32>
    tpu.vector_store %arg3[%swap3A, %swap3A_6], %dot_general3A_5 {strides = array<i32>} : memref<320x128xf32, #tpu.memory_space<vmem>>, vector<320x128xf32>,
    return
  }
  func.func @transform_0(%arg0: i32) -> (i32, i32) {
    %c0_i32 = arith.constant 0 : i32
    %c0_i32_0 = arith.constant 0 : i32
    return %arg0, %c0_i32 : i32, i32
  }
  func.func @transform_1(%arg0: i32) -> (i32, i32) {
    %c0_i32 = arith.constant 0 : i32
    %c0_i32_0 = arith.constant 0 : i32
    %c0_i32_1 = arith.constant 0 : i32
    return %c0_i32, %c0_i32_0 : i32, i32
  }
  func.func @transform_2(%arg0: i32) -> (i32, i32) {
    %c0_i32 = arith.constant 0 : i32
    %c0_i32_0 = arith.constant 0 : i32
    return %arg0, %c0_i32 : i32, i32
  }
}

module attributes {stable_mosaic.version = 14 : i64} {
  func.func @body(%arg0: i32, %arg1: memref<320x128xf32, #tpu.memory_space<vmem>>, %arg2: memref<320x1xf32, #tpu.memory_space<vmem>>, %arg3: memref<320x1xf32, #tpu.memory_space<vmem>>, %arg4: memref<320x128xf32, #tpu.memory_space<vmem>>, %arg5: memref<320x1xf32, #tpu.memory_space<vmem>>) attributes {dimension_semantics = [#tpu.dimension_semantics<arbitrary>], iteration_bounds = array<i64: 32>, scalar_prefetch = 0 : i64, scratch_operands = 0 : i64, tpu.core_type = #tpu.core_type<tc>, window_params = [{transform_indices = @transform_0, window_bounds = array<i64: 320, 128>}, {transform_indices = @transform_1, window_bounds = array<i64: 320, 1>}, {transform_indices = @transform_2, window_bounds = array<i64: 320, 1>}, {transform_indices = @transform_3, window_bounds = array<i64: 320, 128>}, {transform_indices = @transform_4, window_bounds = array<i64: 320, 1>}]} {
    %get3A = arith.constant 0 : index
    %get3A_0 = arith.constant 0 : index
    %get3A_1 = vector.load %arg2[%get3A, %get3A_0] : memref<320x1xf32, #tpu.memory_space<vmem>>, vector<320x1xf32>
    %add3A = arith.constant 1.000000e+00 : f32
    %add3A_2 = vector.broadcast %add3A : f32 to vector<320x1xf32>
    %add3A_3 = arith.addf %add3A_2, %get3A_1 : vector<320x1xf32>
    %get3A_4 = arith.constant 0 : index
    %get3A_5 = arith.constant 0 : index
    %get3A_6 = vector.load %arg3[%get3A_4, %get3A_5] : memref<320x1xf32, #tpu.memory_space<vmem>>, vector<320x1xf32>
    %add3A_7 = arith.addf %add3A_3, %get3A_6 : vector<320x1xf32>
    %rsqrt3A = math.rsqrt %add3A_7 : vector<320x1xf32>
    %get3A_8 = arith.constant 0 : index
    %get3A_9 = arith.constant 0 : index
    %get3A_10 = vector.load %arg1[%get3A_8, %get3A_9] : memref<320x128xf32, #tpu.memory_space<vmem>>, vector<320x128xf32>
    %mul3A = vector.broadcast %rsqrt3A : vector<320x1xf32> to vector<320x128xf32>
    %mul3A_11 = arith.mulf %get3A_10, %mul3A : vector<320x128xf32>
    %swap3A = arith.constant 0 : index
    %swap3A_12 = arith.constant 0 : index
    %swap3A_13 = vector.load %arg4[%swap3A, %swap3A_12] : memref<320x128xf32, #tpu.memory_space<vmem>>, vector<320x128xf32>
    tpu.vector_store %arg4[%swap3A, %swap3A_12], %mul3A_11 {strides = array<i32>} : memref<320x128xf32, #tpu.memory_space<vmem>>, vector<320x128xf32>,
    %swap3A_14 = arith.constant 0 : index
    %swap3A_15 = arith.constant 0 : index
    %swap3A_16 = vector.load %arg5[%swap3A_14, %swap3A_15] : memref<320x1xf32, #tpu.memory_space<vmem>>, vector<320x1xf32>
    tpu.vector_store %arg5[%swap3A_14, %swap3A_15], %rsqrt3A {strides = array<i32>} : memref<320x1xf32, #tpu.memory_space<vmem>>, vector<320x1xf32>,
    return
  }
  func.func @transform_0(%arg0: i32) -> (i32, i32) {
    %c0_i32 = arith.constant 0 : i32
    %c0_i32_0 = arith.constant 0 : i32
    return %arg0, %c0_i32 : i32, i32
  }
  func.func @transform_1(%arg0: i32) -> (i32, i32) {
    %c0_i32 = arith.constant 0 : i32
    %c0_i32_0 = arith.constant 0 : i32
    return %arg0, %c0_i32 : i32, i32
  }
  func.func @transform_2(%arg0: i32) -> (i32, i32) {
    %c0_i32 = arith.constant 0 : i32
    %c0_i32_0 = arith.constant 0 : i32
    return %arg0, %c0_i32 : i32, i32
  }
  func.func @transform_3(%arg0: i32) -> (i32, i32) {
    %c0_i32 = arith.constant 0 : i32
    %c0_i32_0 = arith.constant 0 : i32
    return %arg0, %c0_i32 : i32, i32
  }
  func.func @transform_4(%arg0: i32) -> (i32, i32) {
    %c0_i32 = arith.constant 0 : i32
    %c0_i32_0 = arith.constant 0 : i32
    return %arg0, %c0_i32 : i32, i32
  }
}

module attributes {stable_mosaic.version = 14 : i64} {
  func.func @body(%arg0: i32, %arg1: memref<2x320x128xf32, #tpu.memory_space<vmem>>, %arg2: memref<320x128xf32, #tpu.memory_space<vmem>>, %arg3: memref<320x1xf32, #tpu.memory_space<vmem>>, %arg4: memref<1x128xf32, #tpu.memory_space<vmem>>, %arg5: memref<128x128xf32, #tpu.memory_space<vmem>>, %arg6: memref<320x128xf32, #tpu.memory_space<vmem>>) attributes {dimension_semantics = [#tpu.dimension_semantics<arbitrary>], iteration_bounds = array<i64: 32>, scalar_prefetch = 0 : i64, scratch_operands = 0 : i64, tpu.core_type = #tpu.core_type<tc>, window_params = [{transform_indices = @transform_0, window_bounds = array<i64: 2, 320, 128>}, {transform_indices = @transform_1, window_bounds = array<i64: 320, 128>}, {transform_indices = @transform_2, window_bounds = array<i64: 320, 1>}, {pipeline_mode = #tpu.pipeline_mode<synchronous>, transform_indices = @transform_3, window_bounds = array<i64: 1, 128>}, {pipeline_mode = #tpu.pipeline_mode<synchronous>, transform_indices = @transform_4, window_bounds = array<i64: 128, 128>}, {transform_indices = @transform_5, window_bounds = array<i64: 320, 128>}]} {
    %get3A = arith.constant 0 : index
    %get3A_0 = arith.constant 0 : index
    %get3A_1 = vector.load %arg3[%get3A, %get3A_0] : memref<320x1xf32, #tpu.memory_space<vmem>>, vector<320x1xf32>
    %get3A_2 = arith.constant 0 : index
    %get3A_3 = arith.constant 0 : index
    %get3A_4 = arith.constant 0 : index
    %get3A_5 = vector.load %arg1[%get3A_2, %get3A_3, %get3A_4] : memref<2x320x128xf32, #tpu.memory_space<vmem>>, vector<1x320x128xf32>
    %get3A_6 = vector.shape_cast %get3A_5 : vector<1x320x128xf32> to vector<320x128xf32>
    %get3A_7 = arith.constant 1 : index
    %get3A_8 = arith.constant 0 : index
    %get3A_9 = arith.constant 0 : index
    %get3A_10 = vector.load %arg1[%get3A_7, %get3A_8, %get3A_9] : memref<2x320x128xf32, #tpu.memory_space<vmem>>, vector<1x320x128xf32>
    %get3A_11 = vector.shape_cast %get3A_10 : vector<1x320x128xf32> to vector<320x128xf32>
    %add3A = arith.addf %get3A_6, %get3A_11 : vector<320x128xf32>
    %get3A_12 = arith.constant 0 : index
    %get3A_13 = arith.constant 0 : index
    %get3A_14 = vector.load %arg2[%get3A_12, %get3A_13] : memref<320x128xf32, #tpu.memory_space<vmem>>, vector<320x128xf32>
    %add3A_15 = arith.addf %add3A, %get3A_14 : vector<320x128xf32>
    %mul3A = vector.broadcast %get3A_1 : vector<320x1xf32> to vector<320x128xf32>
    %mul3A_16 = arith.mulf %add3A_15, %mul3A : vector<320x128xf32>
    %get3A_17 = arith.constant 0 : index
    %get3A_18 = arith.constant 0 : index
    %get3A_19 = vector.load %arg4[%get3A_17, %get3A_18] : memref<1x128xf32, #tpu.memory_space<vmem>>, vector<1x128xf32>
    %add3A_20 = vector.broadcast %get3A_19 : vector<1x128xf32> to vector<320x128xf32>
    %add3A_21 = arith.addf %mul3A_16, %add3A_20 : vector<320x128xf32>
    %max3A = arith.constant 0.000000e+00 : f32
    %max3A_22 = vector.broadcast %max3A : f32 to vector<320x128xf32>
    %max3A_23 = arith.maximumf %add3A_21, %max3A_22 : vector<320x128xf32>
    %get3A_24 = arith.constant 0 : index
    %get3A_25 = arith.constant 0 : index
    %get3A_26 = vector.load %arg5[%get3A_24, %get3A_25] : memref<128x128xf32, #tpu.memory_space<vmem>>, vector<128x128xf32>
    %dot_general3A = arith.constant dense<0.000000e+00> : vector<320x128xf32>
    %dot_general3A_27 = tpu.matmul %max3A_23, %get3A_26, %dot_general3A {dimension_numbers = #tpu.dot_dimension_numbers<[1], [0], [0], [1], [0, 0, 1, 1], [], []>, transpose_lhs_hint = false} : vector<320x128xf32>, vector<128x128xf32>, vector<320x128xf32> -> vector<320x128xf32>
    %mul3A_28 = vector.broadcast %get3A_1 : vector<320x1xf32> to vector<320x128xf32>
    %mul3A_29 = arith.mulf %dot_general3A_27, %mul3A_28 : vector<320x128xf32>
    %swap3A = arith.constant 0 : index
    %swap3A_30 = arith.constant 0 : index
    %swap3A_31 = vector.load %arg6[%swap3A, %swap3A_30] : memref<320x128xf32, #tpu.memory_space<vmem>>, vector<320x128xf32>
    tpu.vector_store %arg6[%swap3A, %swap3A_30], %mul3A_29 {strides = array<i32>} : memref<320x128xf32, #tpu.memory_space<vmem>>, vector<320x128xf32>,
    return
  }
  func.func @transform_0(%arg0: i32) -> (i32, i32, i32) {
    %c0_i32 = arith.constant 0 : i32
    %c0_i32_0 = arith.constant 0 : i32
    %c0_i32_1 = arith.constant 0 : i32
    return %c0_i32, %arg0, %c0_i32_0 : i32, i32, i32
  }
  func.func @transform_1(%arg0: i32) -> (i32, i32) {
    %c0_i32 = arith.constant 0 : i32
    %c0_i32_0 = arith.constant 0 : i32
    return %arg0, %c0_i32 : i32, i32
  }
  func.func @transform_2(%arg0: i32) -> (i32, i32) {
    %c0_i32 = arith.constant 0 : i32
    %c0_i32_0 = arith.constant 0 : i32
    return %arg0, %c0_i32 : i32, i32
  }
  func.func @transform_3(%arg0: i32) -> (i32, i32) {
    %c0_i32 = arith.constant 0 : i32
    %c0_i32_0 = arith.constant 0 : i32
    %c0_i32_1 = arith.constant 0 : i32
    return %c0_i32, %c0_i32_0 : i32, i32
  }
  func.func @transform_4(%arg0: i32) -> (i32, i32) {
    %c0_i32 = arith.constant 0 : i32
    %c0_i32_0 = arith.constant 0 : i32
    %c0_i32_1 = arith.constant 0 : i32
    return %c0_i32, %c0_i32_0 : i32, i32
  }
  func.func @transform_5(%arg0: i32) -> (i32, i32) {
    %c0_i32 = arith.constant 0 : i32
    %c0_i32_0 = arith.constant 0 : i32
    return %arg0, %c0_i32 : i32, i32
  }
}

module attributes {stable_mosaic.version = 14 : i64} {
  func.func @body(%arg0: i32, %arg1: memref<2x320x128xf32, #tpu.memory_space<vmem>>, %arg2: memref<320x128xf32, #tpu.memory_space<vmem>>, %arg3: memref<320x1xf32, #tpu.memory_space<vmem>>, %arg4: memref<1x128xf32, #tpu.memory_space<vmem>>, %arg5: memref<320x128xf32, #tpu.memory_space<vmem>>) attributes {dimension_semantics = [#tpu.dimension_semantics<arbitrary>], iteration_bounds = array<i64: 32>, scalar_prefetch = 0 : i64, scratch_operands = 0 : i64, tpu.core_type = #tpu.core_type<tc>, window_params = [{transform_indices = @transform_0, window_bounds = array<i64: 2, 320, 128>}, {transform_indices = @transform_1, window_bounds = array<i64: 320, 128>}, {transform_indices = @transform_2, window_bounds = array<i64: 320, 1>}, {pipeline_mode = #tpu.pipeline_mode<synchronous>, transform_indices = @transform_3, window_bounds = array<i64: 1, 128>}, {transform_indices = @transform_4, window_bounds = array<i64: 320, 128>}]} {
    %get3A = arith.constant 0 : index
    %get3A_0 = arith.constant 0 : index
    %get3A_1 = vector.load %arg3[%get3A, %get3A_0] : memref<320x1xf32, #tpu.memory_space<vmem>>, vector<320x1xf32>
    %get3A_2 = arith.constant 0 : index
    %get3A_3 = arith.constant 0 : index
    %get3A_4 = arith.constant 0 : index
    %get3A_5 = vector.load %arg1[%get3A_2, %get3A_3, %get3A_4] : memref<2x320x128xf32, #tpu.memory_space<vmem>>, vector<1x320x128xf32>
    %get3A_6 = vector.shape_cast %get3A_5 : vector<1x320x128xf32> to vector<320x128xf32>
    %get3A_7 = arith.constant 1 : index
    %get3A_8 = arith.constant 0 : index
    %get3A_9 = arith.constant 0 : index
    %get3A_10 = vector.load %arg1[%get3A_7, %get3A_8, %get3A_9] : memref<2x320x128xf32, #tpu.memory_space<vmem>>, vector<1x320x128xf32>
    %get3A_11 = vector.shape_cast %get3A_10 : vector<1x320x128xf32> to vector<320x128xf32>
    %add3A = arith.addf %get3A_6, %get3A_11 : vector<320x128xf32>
    %get3A_12 = arith.constant 0 : index
    %get3A_13 = arith.constant 0 : index
    %get3A_14 = vector.load %arg2[%get3A_12, %get3A_13] : memref<320x128xf32, #tpu.memory_space<vmem>>, vector<320x128xf32>
    %add3A_15 = arith.addf %add3A, %get3A_14 : vector<320x128xf32>
    %mul3A = vector.broadcast %get3A_1 : vector<320x1xf32> to vector<320x128xf32>
    %mul3A_16 = arith.mulf %add3A_15, %mul3A : vector<320x128xf32>
    %get3A_17 = arith.constant 0 : index
    %get3A_18 = arith.constant 0 : index
    %get3A_19 = vector.load %arg4[%get3A_17, %get3A_18] : memref<1x128xf32, #tpu.memory_space<vmem>>, vector<1x128xf32>
    %add3A_20 = vector.broadcast %get3A_19 : vector<1x128xf32> to vector<320x128xf32>
    %add3A_21 = arith.addf %mul3A_16, %add3A_20 : vector<320x128xf32>
    %swap3A = arith.constant 0 : index
    %swap3A_22 = arith.constant 0 : index
    %swap3A_23 = vector.load %arg5[%swap3A, %swap3A_22] : memref<320x128xf32, #tpu.memory_space<vmem>>, vector<320x128xf32>
    tpu.vector_store %arg5[%swap3A, %swap3A_22], %add3A_21 {strides = array<i32>} : memref<320x128xf32, #tpu.memory_space<vmem>>, vector<320x128xf32>,
    return
  }
  func.func @transform_0(%arg0: i32) -> (i32, i32, i32) {
    %c0_i32 = arith.constant 0 : i32
    %c0_i32_0 = arith.constant 0 : i32
    %c0_i32_1 = arith.constant 0 : i32
    return %c0_i32, %arg0, %c0_i32_0 : i32, i32, i32
  }
  func.func @transform_1(%arg0: i32) -> (i32, i32) {
    %c0_i32 = arith.constant 0 : i32
    %c0_i32_0 = arith.constant 0 : i32
    return %arg0, %c0_i32 : i32, i32
  }
  func.func @transform_2(%arg0: i32) -> (i32, i32) {
    %c0_i32 = arith.constant 0 : i32
    %c0_i32_0 = arith.constant 0 : i32
    return %arg0, %c0_i32 : i32, i32
  }
  func.func @transform_3(%arg0: i32) -> (i32, i32) {
    %c0_i32 = arith.constant 0 : i32
    %c0_i32_0 = arith.constant 0 : i32
    %c0_i32_1 = arith.constant 0 : i32
    return %c0_i32, %c0_i32_0 : i32, i32
  }
  func.func @transform_4(%arg0: i32) -> (i32, i32) {
    %c0_i32 = arith.constant 0 : i32
    %c0_i32_0 = arith.constant 0 : i32
    return %arg0, %c0_i32 : i32, i32
  }
}

</mosaic_0001>

<sc_bundles>
// kernel: kernel.12.cloned.1.call-start
scs
__scs_entry_jumppad:
0x0: {  	(pc) =	sbr.rel $0x88, $3  }
0x1: {  	(tag) =	ssettag $0x0;
	lr =	simm.s32 $0x1  }
0x2: {  	[smem:$0x3F9B] =	sst lr;
	_ =	strace $0xD0000000  }
0x3: {  	_ = 	snop  }
0x4: {  	_ = 	snop  }
0x5: {  	_ = 	snop  }
0x6: {  	_ = 	snop  }
0x7: {  	_ = 	snop  }
__scs_overlays_trampoline_lowered:
0x8: {  	[smem:$0x3FAA] =	sst s0  }
0x9: {  	[smem:$0x3FAB] =	sst s1  }
0xa: {  	[smem:$0x3FAC] =	sst s2  }
0xb: {  	[smem:$0x3FAD] =	sst s3  }
0xc: {  	[smem:$0x3FAE] =	sst s4  }
0xd: {  	[smem:$0x3FAF] =	sst s5  }
0xe: {  	[smem:$0x3FB0] =	sst s6  }
0xf: {  	[smem:$0x3FB1] =	sst s7  }
0x10: {  	[smem:$0x3FB2] =	sst s8  }
0x11: {  	[smem:$0x3FB3] =	sst s9;
	s0 =	simm.s32 @!p0 $0x0  }
0x12: {  	s1 =	sld [smem:$0x3F99];
	s0 =	simm.s32 @p0 $0x1  }
0x13: {  	[smem:$0x3FB4] =	sst s0;
	s0 =	simm.s32 @!p1 $0x0  }
0x14: {  	s2 =	sld [smem:$0x3F98];
	s0 =	simm.s32 @p1 $0x1  }
0x15: {  	[smem:$0x3FB5] =	sst s0;
	s0 =	simm.s32 @!p2 $0x0  }
0x16: {  	s3 =	sld [smem:$0x3FDB];
	s0 =	simm.s32 @p2 $0x1  }
0x17: {  	s4 =	simm.s32 $0x1BF5;
	[smem:$0x3FB7] =	sst s0  }
0x18: {  	s0 =	sld [smem:$0x3F9A];
	_ =	swait.ge [sflag:s4], $0x0  }
0x19: {  	s7 =	sld [smem:$0x3F9B]  }
0x1a: {  	s8 =	sadd.s32 $0xFFFFE003, lr  }
0x1b: {  	s9 =	sadd.s32 $0xFFFFFEF7, lr;
	s5 =	simm.s32 $0xFFFFFFFF;
	p2 =	slt.u32 s8, $0xFFFFF086  }
0x1c: {  	p1 =	slt.u32 s9, $0xF7A;
	s5 =	simm.s32 @!p2 $0x0  }
0x1d: {  	s5 =	simm.s32 @p1 $0x1;
	p0 =	seq.s32 s7, s2  }
0x1e: {  	s7 =	smul.u32 @!p0 $0xF7A, s2;
	p2 =	seq.s32 @!p0 s5, $0x0  }
0x1f: {  	s9 =	smul.u32 $0xF7A, s1;
	s8 =	simm.s32 @!p0 $0x1BF5;
	p2 =	por !p2, p0  }
0x20: {  	[sflag:s8] =	ssyncset.s32 @!p0 $0xFFFFF086;
	s6 =	sadd.s32 @!p0 s3, s7;
	s7 =	simm.s32 @!p0 $0x108  }
0x21: {  	s3 =	sadd.s32 s3, s9;
	s6 =	sadd.s32 @!p0 $0x88, s6;
	s7 =	simm.s32 @p2 $0x1082  }
0x22: {  	[simem:s7], [sflag:s8] =	dma.local @!p0 [hbm:s6], $0xF7A  }
0x23: {  	s9 =	sor.u32 $0xD0000000, s2;
	s6 =	simm.s32 $0x108;
	_ =	swait.ge @!p0 [sflag:s8], $0x0  }
0x24: {  	s3 =	sadd.s32 $0x88, s3;
	s6 =	simm.s32 @!p1 $0x1082;
	[sflag:s4] =	ssyncset.s32 $0xFFFFF086  }
0x25: {  	[simem:s6], [sflag:s4] =	dma.local [hbm:s3], $0xF7A  }
0x26: {  	[smem:$0x3F9B] =	sst s1;
	(tag) =	ssettag s2;
	_ =	strace s9  }
0x27: {  	s1 =	sld [smem:$0x3FAB]  }
0x28: {  	s2 =	sld [smem:$0x3FAC]  }
0x29: {  	s4 =	sld [smem:$0x3FAE]  }
0x2a: {  	p0 =	seq.s32 s5, $0x0;
	s5 =	sld [smem:$0x3FAF]  }
0x2b: {  	s6 =	sld [smem:$0x3FB0]  }
0x2c: {  	s7 =	sld [smem:$0x3FB1]  }
0x2d: {  	s3 =	simm.s32 $0x108;
	s8 =	sld [smem:$0x3FB2]  }
0x2e: {  	s3 =	simm.s32 @!p0 $0x1082;
	s9 =	sld [smem:$0x3FB3]  }
0x2f: {  	lr =	sadd.s32 s0, s3;
	s0 =	sld [smem:$0x3FAA]  }
0x30: {  	s3 =	sld [smem:$0x3FAD]  }
0x31: {  	[smem:$0x3FB6] =	sst s10  }
0x32: {  	s10 =	sld [smem:$0x3FB4];
	_ =	sdelay $0x3  }
0x33: {  	p0 =	seq.s32 s10, $0x1;
	s10 =	sld [smem:$0x3FB6];
	_ =	sdelay $0x3  }
0x34: {  	[smem:$0x3FB6] =	sst s10  }
0x35: {  	s10 =	sld [smem:$0x3FB5];
	_ =	sdelay $0x3  }
0x36: {  	p1 =	seq.s32 s10, $0x1;
	s10 =	sld [smem:$0x3FB6];
	_ =	sdelay $0x3  }
0x37: {  	[smem:$0x3FB6] =	sst s10  }
0x38: {  	s10 =	sld [smem:$0x3FB7]  }
0x39: {  	_ = 	snop;
	(pc) =	sbr.ind lr, $3  }
0x3a: {  	_ = 	snop  }
0x3b: {  	_ = 	snop  }
0x3c: {  	p2 =	seq.s32 s10, $0x1;
	s10 =	sld [smem:$0x3FB6]  }
0x3d: {  	_ =	shalt  }
0x3e: {  	_ =	shalt  }
0x3f: {  	_ =	shalt  }
0x40: {  	_ =	shalt  }
0x41: {  	_ =	shalt  }
0x42: {  	_ =	shalt  }
0x43: {  	_ =	shalt  }
0x44: {  	_ =	shalt  }
0x45: {  	_ =	shalt  }
0x46: {  	_ =	shalt  }
0x47: {  	_ =	shalt  }
0x48: {  	_ =	shalt  }
0x49: {  	_ =	shalt  }
0x4a: {  	_ =	shalt  }
0x4b: {  	_ =	shalt  }
0x4c: {  	_ =	shalt  }
0x4d: {  	_ =	shalt  }
0x4e: {  	_ =	shalt  }
0x4f: {  	_ =	shalt  }
0x50: {  	_ =	shalt  }
0x51: {  	_ =	shalt  }
0x52: {  	_ =	shalt  }
0x53: {  	_ =	shalt  }
0x54: {  	_ =	shalt  }
0x55: {  	_ =	shalt  }
0x56: {  	_ =	shalt  }
0x57: {  	_ =	shalt  }
0x58: {  	_ =	shalt  }
0x59: {  	_ =	shalt  }
0x5a: {  	_ =	shalt  }
0x5b: {  	_ =	shalt  }
0x5c: {  	_ =	shalt  }
0x5d: {  	_ =	shalt  }
0x5e: {  	_ =	shalt  }
0x5f: {  	_ =	shalt  }
0x60: {  	_ =	shalt  }
0x61: {  	_ =	shalt  }
0x62: {  	_ =	shalt  }
0x63: {  	_ =	shalt  }
0x64: {  	_ =	shalt  }
0x65: {  	_ =	shalt  }
0x66: {  	_ =	shalt  }
0x67: {  	_ =	shalt  }
0x68: {  	_ =	shalt  }
0x69: {  	_ =	shalt  }
0x6a: {  	_ =	shalt  }
0x6b: {  	_ =	shalt  }
0x6c: {  	_ =	shalt  }
0x6d: {  	_ =	shalt  }
0x6e: {  	_ =	shalt  }
0x6f: {  	_ =	shalt  }
0x70: {  	_ =	shalt  }
0x71: {  	_ =	shalt  }
0x72: {  	_ =	shalt  }
0x73: {  	_ =	shalt  }
0x74: {  	_ =	shalt  }
0x75: {  	_ =	shalt  }
0x76: {  	_ =	shalt  }
0x77: {  	_ =	shalt  }
0x78: {  	_ =	shalt  }
0x79: {  	_ =	shalt  }
0x7a: {  	_ =	shalt  }
0x7b: {  	_ =	shalt  }
0x7c: {  	_ =	shalt  }
0x7d: {  	_ =	shalt  }
0x7e: {  	_ =	shalt  }
0x7f: {  	_ =	shalt  }
0x80: {  	_ =	shalt  }
0x81: {  	_ =	shalt  }
0x82: {  	_ =	shalt  }
0x83: {  	_ =	shalt  }
0x84: {  	_ =	shalt  }
0x85: {  	_ =	shalt  }
0x86: {  	_ =	shalt  }
0x87: {  	_ =	shalt  }
.Lfunc_end0:
.L_simem_size_0:
called_computation.1_lowered:
.L_overlay_start_0:
0x88: {  	s2 =	sld [smem:$0x3FD9]  }
0x89: {  	s3 =	sld [smem:$0x3FFE];
	_ =	sdelay $0x1  }
0x8a: {  	s1 =	srdreg.scid  }
0x8b: {  	s0 =	sand.u32 $0x1, s1  }
0x8c: {  	s17 =	sshll.u32 s0, $0xA;
	s2 =	sadd.s32 s3, s2  }
0x8d: {  	s2 =	sadd.s32 s2, s17  }
0x8e: {  	[smem:$0x3FC2] =	sst s2  }
0x8f: {  	_ = 	snop  }
0x90: {  	s2 =	sld [smem:$0x3FD0];
	(tm) =	ssettm $0x1  }
0x91: {  	s18 =	sld [smem:$0x3FFB];
	_ =	sdelay $0x3  }
0x92: {  	_ =	strace s18  }
0x93: {  	s3 =	sld [smem:$0x3FFC];
	_ =	sdelay $0x3  }
0x94: {  	_ =	strace s3  }
0x95: {  	s3 =	sld [smem:$0x3FFD];
	_ =	sdelay $0x3  }
0x96: {  	_ =	strace s3  }
0x97: {  	_ =	strace $0x8FFFFFFF  }
0x98: {  	s19 =	sld [smem:$0x3FDB];
	_ =	sdelay $0x1  }
0x99: {  	s4 =	simm.s32 $_scs_section_size  }
0x9a: {  	s5 =	simm.s32 $_size__tile_overlayer_lowered;
	s6 =	simm.s32 $_tile_overlayer_lowered  }
0x9b: {  	s22 =	simm.s32 $0x1BFF;
	s21 =	sshll.u32 s6, $0x1;
	s3 =	sadd.s32 s4, s19  }
0x9c: {  	s7 =	simm.s32 $0x0;
	s20 =	sshll.u32 s5, $0x1;
	s5 =	sadd.s32 s21, s3  }
0x9d: {  	[timem:s7], [sflag:s22] =	dma.local [hbm:s5], s20  }
0x9e: {  	_ =	swait.ge [sflag:s22], s20  }
0x9f: {  	s4 =	ssub.s32 $0x0, s20;
	[sflag:s22] =	ssyncset.done $0x0  }
0xa0: {  	[sflag:s22] =	ssyncadd.s32 s4;
	_ =	sdelay $0x1  }
0xa1: {  	s23 =	simm.s32 $0x1B8B  }
0xa2: {  	_ =	swait.ge [sflag:s23], $0x1  }
0xa3: {  	[sflag:s23] =	ssyncset.done $0x0  }
0xa4: {  	s25 =	simm.s32 $0x1B8E;
	s24 =	sld [smem:$0x3FFE];
	[sflag:s23] =	ssyncadd.s32 $0xFFFFFFFF  }
0xa5: {  	s26 =	simm.s32 $execute0_lowered;
	[smem:$0x3FD2] =	sst s25  }
0xa6: {  	s5 =	sshll.u32 s26, $0x1;
	_ =	strace $0x80000049;
	[dreg:$0x1] =	wrdreg $0xFFFFFFFF  }
0xa7: {  	s28 =	simm.s32 $_size_execute0_lowered;
	s3 =	sadd.s32 s3, s5;
	[dreg:$0x0] =	wrdreg $0x0  }
0xa8: {  	s5 =	sshll.u32 s28, $0x1;
	[dreg:$0x2] =	wrdreg s3  }
0xa9: {  	[dreg:$0x3] =	wrdreg s5  }
0xaa: {  	[dreg:$0x4] =	wrdreg $0xC0  }
0xab: {  	_ =	task [dreg:s7], $0x5FFFF  }
0xac: {  	[dreg:$0x1] =	wrdreg $0xFFFFFFFF  }
0xad: {  	[dreg:$0x0] =	wrdreg $0x60  }
0xae: {  	[dreg:$0x2] =	wrdreg s24  }
0xaf: {  	[dreg:$0x3] =	wrdreg s2  }
0xb0: {  	[dreg:$0x4] =	wrdreg $0x88000  }
0xb1: {  	[dreg:$0x5] =	wrdreg $0x9  }
0xb2: {  	_ =	task.clear_ibuf [dreg:s7], $0x6FFFF;
	_ =	strace $0x90000049  }
0xb3: {  	s29 =	simm.s32 $0x9;
	_ =	strace $0x8000004B  }
0xb4: {  	_ =	swait.ge [sflag:s29], $0x1  }
0xb5: {  	[sflag:s29] =	ssyncadd.s32 $0xFFFFFFFF  }
0xb6: {  	_ =	strace $0x9000004B  }
0xb7: {  	_ =	sfence  }
0xb8: {  	s30 =	sld [smem:$0x0];
	_ =	sdelay $0x2  }
0xb9: {  	s31 =	sshll.u32 s1, $0xD;
	s1 =	sshrl.u32 s1, $0x2  }
0xba: {  	s3 =	sand.u32 $0x4000, s31;
	s1 =	sadd.s32 s1, s30  }
0xbb: {  	s0 =	sor.u32 s3, s0;
	s1 =	sshll.u32 s1, $0x11  }
0xbc: {  	s0 =	sor.u32 s1, s0  }
0xbd: {  	s0 =	sadd.s32 $0x8F2B, s0  }
0xbe: {  	[sflag:s0] =	ssyncadd.remote.s32 $0x1  }
0xbf: {  	_ =	sfence.sel $0xFFFF  }
0xc0: {  	[dreg:$0x0] =	wrdreg $0xFFFFFFFF;
	(pc) =	sbr.abs _section_cstart, $3  }
0xc1: {  	[dreg:$0x1] =	wrdreg $0xFFFFFFFF  }
0xc2: {  	_ =	task.clear_ibuf [dreg:s7], $0x2FFFF;
	_ =	strace $0x9FFFFFFF  }
0xc3: {  	(tm) =	ssettm $0x7FFFFFFF  }
tec
execute0_lowered:
.L_overlay_start_1:
0x0: {  	(tag) =	ssettag $0x1  }
0x1: {  	s0 =	rddreg [dreg:$0x0]  }
0x2: {  	s1 =	rddreg [dreg:$0x1];
	s12 =	stileid.u32  }
0x3: {  	s3 =	srdreg.scid;
	s2 =	rddreg [dreg:$0x2];
	s14 =	simm.s32 $0x80  }
0x4: {  	s15 =	simm.s32 $0x800;
	s16 =	simm.s32 $0x4800;
	s17 =	simm.s32 $0x1  }
0x5: {  	s18 =	simm.s32 $0x100;
	s28 =	simm.s32 $0x300;
	s29 =	simm.s32 $0x680  }
0x6: {  	s30 =	simm.s32 $0x380;
	s31 =	simm.s32 $0x700;
	s5 =	smul.u32 $0xA00, s12  }
0x7: {  	s6 =	sand.u32 $0x1, s3;
	s3 =	simm.s32 $0x0;
	s8 =	smul.u32 $0x14000, s12  }
0x8: {  	s4 =	sadd.s32 $0x2800, s0;
	s11 =	smul.u32 $0x50000, s12;
	s13 =	sadd.s32 $0x52A00, s0  }
0x9: {  	s22 =	sshll.u32 s12, $0x6;
	s12 =	simm.s32 $0x3;
	s7 =	smul.u32 $0x140000, s6  }
0xa: {  	[smem:$0x7FF] =	sst s3;
	s19 =	ssub.s32 $0x2, s6;
	s23 =	smul.u32 $0x500, s6  }
0xb: {  	s6 =	sor.u32 $0x1C03, s22;
	s22 =	simm.s32 $0x500;
	_ =	strace $0x8000004A  }
0xc: {  	s9 =	sadd.s32 s5, s0;
	s10 =	sshrl.u32 s19, $0x1;
	[dreg:$0x4] =	wrdreg s13  }
0xd: {  	s21 =	sshrl.u32 s11, $0x2;
	s25 =	sadd.s32 s5, s1;
	s13 =	simm.s32 $0x400  }
0xe: {  	s1 =	simm.s32 $0x780;
	[dreg:$0x5] =	wrdreg s6;
	s7 =	sadd.s32 s8, s7  }
0xf: {  	s20 =	ssub.s32 s19, s10;
	s8 =	sadd.s32 s21, s2;
	s26 =	sadd.s32 s23, s9  }
0x10: {  	s9 =	sadd.s32 s23, s25;
	s19 =	simm.s32 $0x2;
	s21 =	simm.s32 $0x180  }
0x11: {  	s23 =	simm.s32 $0x200;
	s25 =	simm.s32 $0x280;
	s7 =	sshrl.u32 s7, $0x3  }
0x12: {  	s24 =	smax.u32 s20, $0x1;
	s10 =	sadd.s32 $0x55C00, s26;
	s20 =	simm.s32 $0x480  }
0x13: {  	s0 =	sadd.s32 s7, s0;
	[dreg:$0x7] =	wrdreg s24;
	s7 =	sshrl.u32 s8, $0x3  }
0x14: {  	s26 =	simm.s32 $0x600;
	s0 =	sadd.s32 $0x5FC00, s0;
	[dreg:$0x8] =	wrdreg s7  }
0x15: {  	s24 =	simm.s32 $0x580;
	[dreg:$0x6] =	wrdreg s0;
	s0 =	simm.s32 $0x0  }
.LBB2_1:
0x16: {  	s5 =	rddreg [dreg:$0x4]  }
0x17: {  	[spmem:s7], [sflag:s6] =	dma.local [hbm:s5], $0x2800  }
0x18: {  	_ =	swait.ge [sflag:s12], $0x2800  }
0x19: {  	[sflag:s12] =	ssyncset.done $0x0  }
0x1a: {  	[sflag:s12] =	ssyncadd.s32 $0xFFFFD800  }
0x1b: {  	s8 =	sadd.s32 $0x0, s10;
	[bflag:$0x0] =	sbarrier.arrive $0xFFFF  }
0x1c: {  	[tilespmem:s3], [sflag:$0x3] =	stream.linear.gather [hbm4b:s8+s3], $0x400, $0x38;
	[tilespmem:$0x1C800] =	vst v63  }
0x1d: {  	_ =	swait.ge [sflag:s12], $0x400  }
0x1e: {  	[sflag:s12] =	ssyncset.done $0x0  }
0x1f: {  	s11 =	sadd.s32 $0x0, s9;
	[sflag:s12] =	ssyncadd.s32 $0xFFFFFC00  }
0x20: {  	[tilespmem:s13], [sflag:$0x3] =	stream.linear.gather [hbm4b:s11+s3], $0x400, $0x38;
	[tilespmem:$0x1C800] =	vst v63  }
0x21: {  	_ =	swait.ge [sflag:s12], $0x400  }
0x22: {  	[sflag:s12] =	ssyncset.done $0x0  }
0x23: {  	[sflag:s12] =	ssyncadd.s32 $0xFFFFFC00  }
0x24: {  	[tilespmem:s15], [sflag:$0x1] =	stream.indirect.gather [hbm4b:s4+s14], $0x80, s3, s14, $0xb8;
	[tilespmem:$0x1C800] =	vst v63  }
0x25: {  	_ = 	snop  }
0x26: {  	[tilespmem:s16], [sflag:$0x2] =	stream.indirect.gather [hbm4b:s4+s14], $0x80, s14, s14, $0xb8;
	[tilespmem:$0x1C800] =	vst v63  }
0x27: {  	_ =	swait.ge [sflag:s17], $0x4000  }
0x28: {  	[sflag:s17] =	ssyncset.done $0x0  }
0x29: {  	[sflag:s17] =	ssyncadd.s32 $0xFFFFC000  }
0x2a: {  	[spmem:s2] =	stream.indirect.scatter.add.f32 [tilespmem:s15], [sflag:$0x3], $0x80, s13, s14, $0xb8;
	[tilespmem:$0x1C800] =	vst v63  }
0x2b: {  	_ =	swait.ge [sflag:s12], $0x4000  }
0x2c: {  	[sflag:s12] =	ssyncset.done $0x0  }
0x2d: {  	[sflag:s12] =	ssyncadd.s32 $0xFFFFC000  }
0x2e: {  	[tilespmem:s15], [sflag:$0x1] =	stream.indirect.gather [hbm4b:s4+s14], $0x80, s18, s14, $0xb8;
	[tilespmem:$0x1C800] =	vst v63  }
0x2f: {  	_ =	swait.ge [sflag:s19], $0x4000  }
0x30: {  	[sflag:s19] =	ssyncset.done $0x0  }
0x31: {  	[sflag:s19] =	ssyncadd.s32 $0xFFFFC000  }
0x32: {  	[spmem:s2] =	stream.indirect.scatter.add.f32 [tilespmem:s16], [sflag:$0x3], $0x80, s20, s14, $0xb8;
	[tilespmem:$0x1C800] =	vst v63  }
0x33: {  	_ =	swait.ge [sflag:s12], $0x4000  }
0x34: {  	[sflag:s12] =	ssyncset.done $0x0  }
0x35: {  	[sflag:s12] =	ssyncadd.s32 $0xFFFFC000  }
0x36: {  	[tilespmem:s16], [sflag:$0x2] =	stream.indirect.gather [hbm4b:s4+s14], $0x80, s21, s14, $0xb8;
	[tilespmem:$0x1C800] =	vst v63  }
0x37: {  	_ =	swait.ge [sflag:s17], $0x4000  }
0x38: {  	[sflag:s17] =	ssyncset.done $0x0  }
0x39: {  	[sflag:s17] =	ssyncadd.s32 $0xFFFFC000  }
0x3a: {  	[spmem:s2] =	stream.indirect.scatter.add.f32 [tilespmem:s15], [sflag:$0x3], $0x80, s22, s14, $0xb8;
	[tilespmem:$0x1C800] =	vst v63  }
0x3b: {  	_ =	swait.ge [sflag:s12], $0x4000  }
0x3c: {  	[sflag:s12] =	ssyncset.done $0x0  }
0x3d: {  	[sflag:s12] =	ssyncadd.s32 $0xFFFFC000  }
0x3e: {  	[tilespmem:s15], [sflag:$0x1] =	stream.indirect.gather [hbm4b:s4+s14], $0x80, s23, s14, $0xb8;
	[tilespmem:$0x1C800] =	vst v63  }
0x3f: {  	_ =	swait.ge [sflag:s19], $0x4000  }
0x40: {  	[sflag:s19] =	ssyncset.done $0x0  }
0x41: {  	[sflag:s19] =	ssyncadd.s32 $0xFFFFC000  }
0x42: {  	[spmem:s2] =	stream.indirect.scatter.add.f32 [tilespmem:s16], [sflag:$0x3], $0x80, s24, s14, $0xb8;
	[tilespmem:$0x1C800] =	vst v63  }
0x43: {  	_ =	swait.ge [sflag:s12], $0x4000  }
0x44: {  	[sflag:s12] =	ssyncset.done $0x0  }
0x45: {  	[sflag:s12] =	ssyncadd.s32 $0xFFFFC000  }
0x46: {  	[tilespmem:s16], [sflag:$0x2] =	stream.indirect.gather [hbm4b:s4+s14], $0x80, s25, s14, $0xb8;
	[tilespmem:$0x1C800] =	vst v63  }
0x47: {  	_ =	swait.ge [sflag:s17], $0x4000  }
0x48: {  	[sflag:s17] =	ssyncset.done $0x0  }
0x49: {  	[sflag:s17] =	ssyncadd.s32 $0xFFFFC000  }
0x4a: {  	[spmem:s2] =	stream.indirect.scatter.add.f32 [tilespmem:s15], [sflag:$0x3], $0x80, s26, s14, $0xb8;
	[tilespmem:$0x1C800] =	vst v63  }
0x4b: {  	_ =	swait.ge [sflag:s12], $0x4000  }
0x4c: {  	[sflag:s12] =	ssyncset.done $0x0  }
0x4d: {  	[sflag:s12] =	ssyncadd.s32 $0xFFFFC000  }
0x4e: {  	[tilespmem:s15], [sflag:$0x1] =	stream.indirect.gather [hbm4b:s4+s14], $0x80, s28, s14, $0xb8;
	[tilespmem:$0x1C800] =	vst v63  }
0x4f: {  	_ =	swait.ge [sflag:s19], $0x4000  }
0x50: {  	[sflag:s19] =	ssyncset.done $0x0  }
0x51: {  	[sflag:s19] =	ssyncadd.s32 $0xFFFFC000  }
0x52: {  	[spmem:s2] =	stream.indirect.scatter.add.f32 [tilespmem:s16], [sflag:$0x3], $0x80, s29, s14, $0xb8;
	[tilespmem:$0x1C800] =	vst v63  }
0x53: {  	_ =	swait.ge [sflag:s12], $0x4000  }
0x54: {  	[sflag:s12] =	ssyncset.done $0x0  }
0x55: {  	[sflag:s12] =	ssyncadd.s32 $0xFFFFC000  }
0x56: {  	[tilespmem:s16], [sflag:$0x2] =	stream.indirect.gather [hbm4b:s4+s14], $0x80, s30, s14, $0xb8;
	[tilespmem:$0x1C800] =	vst v63  }
0x57: {  	_ =	swait.ge [sflag:s17], $0x4000  }
0x58: {  	[sflag:s17] =	ssyncset.done $0x0  }
0x59: {  	[sflag:s17] =	ssyncadd.s32 $0xFFFFC000  }
0x5a: {  	[spmem:s2] =	stream.indirect.scatter.add.f32 [tilespmem:s15], [sflag:$0x3], $0x80, s31, s14, $0xb8;
	[tilespmem:$0x1C800] =	vst v63  }
0x5b: {  	_ =	swait.ge [sflag:s12], $0x4000  }
0x5c: {  	[sflag:s12] =	ssyncset.done $0x0  }
0x5d: {  	[sflag:s12] =	ssyncadd.s32 $0xFFFFC000  }
0x5e: {  	_ =	swait.ge [sflag:s19], $0x4000  }
0x5f: {  	[sflag:s19] =	ssyncset.done $0x0  }
0x60: {  	[sflag:s19] =	ssyncadd.s32 $0xFFFFC000  }
0x61: {  	[spmem:s2] =	stream.indirect.scatter.add.f32 [tilespmem:s16], [sflag:$0x3], $0x80, s1, s14, $0xb8;
	[tilespmem:$0x1C800] =	vst v63  }
0x62: {  	_ =	swait.ge [sflag:s12], $0x4000  }
0x63: {  	s5 =	simm.s32 $0x80;
	s7 =	simm.s32 $0x100;
	[sflag:s12] =	ssyncset.done $0x0  }
.LBB2_2:
0x64: {  	s6 =	sadd.s32 s5, s10  }
0x65: {  	[sflag:s12] =	ssyncadd.s32 $0xFFFFC000;
	s11 =	smov.u32 s7;
	s8 =	sadd.s32 $0x80, s7  }
0x66: {  	[tilespmem:s3], [sflag:$0x3] =	stream.linear.gather [hbm4b:s6+s3], $0x400, $0x38;
	[tilespmem:$0x1C800] =	vst v63  }
0x67: {  	p0 =	sne.s32 s7, $0x480;
	_ =	swait.ge [sflag:s12], $0x400  }
0x68: {  	[sflag:s12] =	ssyncset.done $0x0  }
0x69: {  	s6 =	sadd.s32 s5, s9;
	s5 =	smov.u32 s11;
	[sflag:s12] =	ssyncadd.s32 $0xFFFFFC00  }
0x6a: {  	[tilespmem:s13], [sflag:$0x3] =	stream.linear.gather [hbm4b:s6+s3], $0x400, $0x38;
	[tilespmem:$0x1C800] =	vst v63  }
0x6b: {  	_ =	swait.ge [sflag:s12], $0x400  }
0x6c: {  	[sflag:s12] =	ssyncset.done $0x0  }
0x6d: {  	[sflag:s12] =	ssyncadd.s32 $0xFFFFFC00  }
0x6e: {  	[tilespmem:s15], [sflag:$0x1] =	stream.indirect.gather [hbm4b:s4+s14], $0x80, s3, s14, $0xb8;
	[tilespmem:$0x1C800] =	vst v63  }
0x6f: {  	_ = 	snop  }
0x70: {  	[tilespmem:s16], [sflag:$0x2] =	stream.indirect.gather [hbm4b:s4+s14], $0x80, s14, s14, $0xb8;
	[tilespmem:$0x1C800] =	vst v63  }
0x71: {  	_ =	swait.ge [sflag:s17], $0x4000  }
0x72: {  	[sflag:s17] =	ssyncset.done $0x0  }
0x73: {  	[sflag:s17] =	ssyncadd.s32 $0xFFFFC000  }
0x74: {  	[spmem:s2] =	stream.indirect.scatter.add.f32 [tilespmem:s15], [sflag:$0x3], $0x80, s13, s14, $0xb8;
	[tilespmem:$0x1C800] =	vst v63  }
0x75: {  	_ =	swait.ge [sflag:s12], $0x4000  }
0x76: {  	[sflag:s12] =	ssyncset.done $0x0  }
0x77: {  	[sflag:s12] =	ssyncadd.s32 $0xFFFFC000  }
0x78: {  	[tilespmem:s15], [sflag:$0x1] =	stream.indirect.gather [hbm4b:s4+s14], $0x80, s18, s14, $0xb8;
	[tilespmem:$0x1C800] =	vst v63  }
0x79: {  	_ =	swait.ge [sflag:s19], $0x4000  }
0x7a: {  	[sflag:s19] =	ssyncset.done $0x0  }
0x7b: {  	[sflag:s19] =	ssyncadd.s32 $0xFFFFC000  }
0x7c: {  	[spmem:s2] =	stream.indirect.scatter.add.f32 [tilespmem:s16], [sflag:$0x3], $0x80, s20, s14, $0xb8;
	[tilespmem:$0x1C800] =	vst v63  }
0x7d: {  	_ =	swait.ge [sflag:s12], $0x4000  }
0x7e: {  	[sflag:s12] =	ssyncset.done $0x0  }
0x7f: {  	[sflag:s12] =	ssyncadd.s32 $0xFFFFC000  }
0x80: {  	[tilespmem:s16], [sflag:$0x2] =	stream.indirect.gather [hbm4b:s4+s14], $0x80, s21, s14, $0xb8;
	[tilespmem:$0x1C800] =	vst v63  }
0x81: {  	_ =	swait.ge [sflag:s17], $0x4000  }
0x82: {  	[sflag:s17] =	ssyncset.done $0x0  }
0x83: {  	[sflag:s17] =	ssyncadd.s32 $0xFFFFC000  }
0x84: {  	[spmem:s2] =	stream.indirect.scatter.add.f32 [tilespmem:s15], [sflag:$0x3], $0x80, s22, s14, $0xb8;
	[tilespmem:$0x1C800] =	vst v63  }
0x85: {  	_ =	swait.ge [sflag:s12], $0x4000  }
0x86: {  	[sflag:s12] =	ssyncset.done $0x0  }
0x87: {  	[sflag:s12] =	ssyncadd.s32 $0xFFFFC000  }
0x88: {  	[tilespmem:s15], [sflag:$0x1] =	stream.indirect.gather [hbm4b:s4+s14], $0x80, s23, s14, $0xb8;
	[tilespmem:$0x1C800] =	vst v63  }
0x89: {  	_ =	swait.ge [sflag:s19], $0x4000  }
0x8a: {  	[sflag:s19] =	ssyncset.done $0x0  }
0x8b: {  	[sflag:s19] =	ssyncadd.s32 $0xFFFFC000  }
0x8c: {  	[spmem:s2] =	stream.indirect.scatter.add.f32 [tilespmem:s16], [sflag:$0x3], $0x80, s24, s14, $0xb8;
	[tilespmem:$0x1C800] =	vst v63  }
0x8d: {  	_ =	swait.ge [sflag:s12], $0x4000  }
0x8e: {  	[sflag:s12] =	ssyncset.done $0x0  }
0x8f: {  	[sflag:s12] =	ssyncadd.s32 $0xFFFFC000  }
0x90: {  	[tilespmem:s16], [sflag:$0x2] =	stream.indirect.gather [hbm4b:s4+s14], $0x80, s25, s14, $0xb8;
	[tilespmem:$0x1C800] =	vst v63  }
0x91: {  	_ =	swait.ge [sflag:s17], $0x4000  }
0x92: {  	[sflag:s17] =	ssyncset.done $0x0  }
0x93: {  	[sflag:s17] =	ssyncadd.s32 $0xFFFFC000  }
0x94: {  	[spmem:s2] =	stream.indirect.scatter.add.f32 [tilespmem:s15], [sflag:$0x3], $0x80, s26, s14, $0xb8;
	[tilespmem:$0x1C800] =	vst v63  }
0x95: {  	_ =	swait.ge [sflag:s12], $0x4000  }
0x96: {  	[sflag:s12] =	ssyncset.done $0x0  }
0x97: {  	[sflag:s12] =	ssyncadd.s32 $0xFFFFC000  }
0x98: {  	[tilespmem:s15], [sflag:$0x1] =	stream.indirect.gather [hbm4b:s4+s14], $0x80, s28, s14, $0xb8;
	[tilespmem:$0x1C800] =	vst v63  }
0x99: {  	_ =	swait.ge [sflag:s19], $0x4000  }
0x9a: {  	[sflag:s19] =	ssyncset.done $0x0  }
0x9b: {  	[sflag:s19] =	ssyncadd.s32 $0xFFFFC000  }
0x9c: {  	[spmem:s2] =	stream.indirect.scatter.add.f32 [tilespmem:s16], [sflag:$0x3], $0x80, s29, s14, $0xb8;
	[tilespmem:$0x1C800] =	vst v63  }
0x9d: {  	_ =	swait.ge [sflag:s12], $0x4000  }
0x9e: {  	[sflag:s12] =	ssyncset.done $0x0  }
0x9f: {  	[sflag:s12] =	ssyncadd.s32 $0xFFFFC000  }
0xa0: {  	[tilespmem:s16], [sflag:$0x2] =	stream.indirect.gather [hbm4b:s4+s14], $0x80, s30, s14, $0xb8;
	[tilespmem:$0x1C800] =	vst v63  }
0xa1: {  	_ =	swait.ge [sflag:s17], $0x4000  }
0xa2: {  	[sflag:s17] =	ssyncset.done $0x0  }
0xa3: {  	[sflag:s17] =	ssyncadd.s32 $0xFFFFC000  }
0xa4: {  	[spmem:s2] =	stream.indirect.scatter.add.f32 [tilespmem:s15], [sflag:$0x3], $0x80, s31, s14, $0xb8;
	[tilespmem:$0x1C800] =	vst v63  }
0xa5: {  	_ =	swait.ge [sflag:s12], $0x4000  }
0xa6: {  	[sflag:s12] =	ssyncset.done $0x0  }
0xa7: {  	[sflag:s12] =	ssyncadd.s32 $0xFFFFC000  }
0xa8: {  	_ =	swait.ge [sflag:s19], $0x4000  }
.Ltmp0:
0xa9: {  	[sflag:s19] =	ssyncset.done $0x0;
	(pc) =	sbr.rel @p0 .LBB2_2-.Ltmp0, $4  }
0xaa: {  	[sflag:s19] =	ssyncadd.s32 $0xFFFFC000  }
0xab: {  	[spmem:s2] =	stream.indirect.scatter.add.f32 [tilespmem:s16], [sflag:$0x3], $0x80, s1, s14, $0xb8;
	[tilespmem:$0x1C800] =	vst v63  }
0xac: {  	_ =	swait.ge [sflag:s12], $0x4000  }
0xad: {  	s7 =	smov.u32 s8;
	[sflag:s12] =	ssyncset.done $0x0  }
0xae: {  	s6 =	sadd.s32 s5, s10;
	[sflag:s12] =	ssyncadd.s32 $0xFFFFC000  }
0xaf: {  	[tilespmem:s3], [sflag:$0x3] =	stream.linear.gather [hbm4b:s6+s3], $0x400, $0x38;
	[tilespmem:$0x1C800] =	vst v63  }
0xb0: {  	_ =	swait.ge [sflag:s12], $0x400  }
0xb1: {  	[sflag:s12] =	ssyncset.done $0x0  }
0xb2: {  	s7 =	sadd.s32 s5, s9;
	[sflag:s12] =	ssyncadd.s32 $0xFFFFFC00  }
0xb3: {  	[tilespmem:s13], [sflag:$0x3] =	stream.linear.gather [hbm4b:s7+s3], $0x400, $0x38;
	[tilespmem:$0x1C800] =	vst v63  }
0xb4: {  	_ =	swait.ge [sflag:s12], $0x400  }
0xb5: {  	[sflag:s12] =	ssyncset.done $0x0  }
0xb6: {  	[sflag:s12] =	ssyncadd.s32 $0xFFFFFC00  }
0xb7: {  	[tilespmem:s15], [sflag:$0x1] =	stream.indirect.gather [hbm4b:s4+s14], $0x80, s3, s14, $0xb8;
	[tilespmem:$0x1C800] =	vst v63  }
0xb8: {  	_ = 	snop  }
0xb9: {  	[tilespmem:s16], [sflag:$0x2] =	stream.indirect.gather [hbm4b:s4+s14], $0x80, s14, s14, $0xb8;
	[tilespmem:$0x1C800] =	vst v63  }
0xba: {  	_ =	swait.ge [sflag:s17], $0x4000  }
0xbb: {  	[sflag:s17] =	ssyncset.done $0x0  }
0xbc: {  	[sflag:s17] =	ssyncadd.s32 $0xFFFFC000  }
0xbd: {  	[spmem:s2] =	stream.indirect.scatter.add.f32 [tilespmem:s15], [sflag:$0x3], $0x80, s13, s14, $0xb8;
	[tilespmem:$0x1C800] =	vst v63  }
0xbe: {  	_ =	swait.ge [sflag:s12], $0x4000  }
0xbf: {  	[sflag:s12] =	ssyncset.done $0x0  }
0xc0: {  	[sflag:s12] =	ssyncadd.s32 $0xFFFFC000  }
0xc1: {  	[tilespmem:s15], [sflag:$0x1] =	stream.indirect.gather [hbm4b:s4+s14], $0x80, s18, s14, $0xb8;
	[tilespmem:$0x1C800] =	vst v63  }
0xc2: {  	_ =	swait.ge [sflag:s19], $0x4000  }
0xc3: {  	[sflag:s19] =	ssyncset.done $0x0  }
0xc4: {  	[sflag:s19] =	ssyncadd.s32 $0xFFFFC000  }
0xc5: {  	[spmem:s2] =	stream.indirect.scatter.add.f32 [tilespmem:s16], [sflag:$0x3], $0x80, s20, s14, $0xb8;
	[tilespmem:$0x1C800] =	vst v63  }
0xc6: {  	_ =	swait.ge [sflag:s12], $0x4000  }
0xc7: {  	[sflag:s12] =	ssyncset.done $0x0  }
0xc8: {  	[sflag:s12] =	ssyncadd.s32 $0xFFFFC000  }
0xc9: {  	[tilespmem:s16], [sflag:$0x2] =	stream.indirect.gather [hbm4b:s4+s14], $0x80, s21, s14, $0xb8;
	[tilespmem:$0x1C800] =	vst v63  }
0xca: {  	_ =	swait.ge [sflag:s17], $0x4000  }
0xcb: {  	[sflag:s17] =	ssyncset.done $0x0  }
0xcc: {  	[sflag:s17] =	ssyncadd.s32 $0xFFFFC000  }
0xcd: {  	[spmem:s2] =	stream.indirect.scatter.add.f32 [tilespmem:s15], [sflag:$0x3], $0x80, s22, s14, $0xb8;
	[tilespmem:$0x1C800] =	vst v63  }
0xce: {  	_ =	swait.ge [sflag:s12], $0x4000  }
0xcf: {  	[sflag:s12] =	ssyncset.done $0x0  }
0xd0: {  	[sflag:s12] =	ssyncadd.s32 $0xFFFFC000  }
0xd1: {  	[tilespmem:s15], [sflag:$0x1] =	stream.indirect.gather [hbm4b:s4+s14], $0x80, s23, s14, $0xb8;
	[tilespmem:$0x1C800] =	vst v63  }
0xd2: {  	_ =	swait.ge [sflag:s19], $0x4000  }
0xd3: {  	[sflag:s19] =	ssyncset.done $0x0  }
0xd4: {  	[sflag:s19] =	ssyncadd.s32 $0xFFFFC000  }
0xd5: {  	[spmem:s2] =	stream.indirect.scatter.add.f32 [tilespmem:s16], [sflag:$0x3], $0x80, s24, s14, $0xb8;
	[tilespmem:$0x1C800] =	vst v63  }
0xd6: {  	_ =	swait.ge [sflag:s12], $0x4000  }
0xd7: {  	[sflag:s12] =	ssyncset.done $0x0  }
0xd8: {  	[sflag:s12] =	ssyncadd.s32 $0xFFFFC000  }
0xd9: {  	[tilespmem:s16], [sflag:$0x2] =	stream.indirect.gather [hbm4b:s4+s14], $0x80, s25, s14, $0xb8;
	[tilespmem:$0x1C800] =	vst v63  }
0xda: {  	_ =	swait.ge [sflag:s17], $0x4000  }
0xdb: {  	[sflag:s17] =	ssyncset.done $0x0  }
0xdc: {  	[sflag:s17] =	ssyncadd.s32 $0xFFFFC000  }
0xdd: {  	[spmem:s2] =	stream.indirect.scatter.add.f32 [tilespmem:s15], [sflag:$0x3], $0x80, s26, s14, $0xb8;
	[tilespmem:$0x1C800] =	vst v63  }
0xde: {  	_ =	swait.ge [sflag:s12], $0x4000  }
0xdf: {  	[sflag:s12] =	ssyncset.done $0x0  }
0xe0: {  	[sflag:s12] =	ssyncadd.s32 $0xFFFFC000  }
0xe1: {  	[tilespmem:s15], [sflag:$0x1] =	stream.indirect.gather [hbm4b:s4+s14], $0x80, s28, s14, $0xb8;
	[tilespmem:$0x1C800] =	vst v63  }
0xe2: {  	_ =	swait.ge [sflag:s19], $0x4000  }
0xe3: {  	[sflag:s19] =	ssyncset.done $0x0  }
0xe4: {  	[sflag:s19] =	ssyncadd.s32 $0xFFFFC000  }
0xe5: {  	[spmem:s2] =	stream.indirect.scatter.add.f32 [tilespmem:s16], [sflag:$0x3], $0x80, s29, s14, $0xb8;
	[tilespmem:$0x1C800] =	vst v63  }
0xe6: {  	_ =	swait.ge [sflag:s12], $0x4000  }
0xe7: {  	[sflag:s12] =	ssyncset.done $0x0  }
0xe8: {  	[sflag:s12] =	ssyncadd.s32 $0xFFFFC000  }
0xe9: {  	[tilespmem:s16], [sflag:$0x2] =	stream.indirect.gather [hbm4b:s4+s14], $0x80, s30, s14, $0xb8;
	[tilespmem:$0x1C800] =	vst v63  }
0xea: {  	_ =	swait.ge [sflag:s17], $0x4000  }
0xeb: {  	[sflag:s17] =	ssyncset.done $0x0  }
0xec: {  	[sflag:s17] =	ssyncadd.s32 $0xFFFFC000  }
0xed: {  	[spmem:s2] =	stream.indirect.scatter.add.f32 [tilespmem:s15], [sflag:$0x3], $0x80, s31, s14, $0xb8;
	[tilespmem:$0x1C800] =	vst v63  }
0xee: {  	_ =	swait.ge [sflag:s12], $0x4000  }
0xef: {  	[sflag:s12] =	ssyncset.done $0x0  }
0xf0: {  	[sflag:s12] =	ssyncadd.s32 $0xFFFFC000  }
0xf1: {  	_ =	swait.ge [sflag:s19], $0x4000  }
0xf2: {  	[sflag:s19] =	ssyncset.done $0x0  }
0xf3: {  	[sflag:s19] =	ssyncadd.s32 $0xFFFFC000  }
0xf4: {  	[spmem:s2] =	stream.indirect.scatter.add.f32 [tilespmem:s16], [sflag:$0x3], $0x80, s1, s14, $0xb8;
	[tilespmem:$0x1C800] =	vst v63  }
0xf5: {  	_ =	swait.ge [sflag:s12], $0x4000  }
0xf6: {  	[sflag:s12] =	ssyncset.done $0x0  }
0xf7: {  	[sflag:s12] =	ssyncadd.s32 $0xFFFFC000  }
0xf8: {  	[bflag:$0x0] =	sbarrier.arrive $0xFFFF  }
0xf9: {  	s6 =	rddreg [dreg:$0x5]  }
0xfa: {  	s8 =	rddreg [dreg:$0x6]  }
0xfb: {  	s7 =	rddreg [dreg:$0x8]  }
0xfc: {  	[hbm:s8], [sflag:s6] =	dma.local [spmem:s7], $0x2800  }
0xfd: {  	_ =	swait.ge [sflag:s12], $0x2800  }
0xfe: {  	s0 =	sadd.s32 $0x1, s0;
	s11 =	rddreg [dreg:$0x7]  }
0xff: {  	p0 =	sne.s32 s0, s11  }
.Ltmp1:
0x100: {  	_ = 	snop;
	(pc) =	sbr.rel @p0 .LBB2_1-.Ltmp1, $3  }
0x101: {  	_ =	sdelay $0x1  }
0x102: {  	[sflag:s12] =	ssyncset.done $0x0  }
0x103: {  	[sflag:s12] =	ssyncadd.s32 $0xFFFFD800  }
0x104: {  	_ =	sfence.sel $0x180000  }
0x105: {  	[bflag:$0x0] =	sbarrier.arrive $0xFFFF  }
0x106: {  	_ =	strace $0x9000004A  }
0x107: {  	s0 =	stileid.u32;
	[bflag:$0x2] =	sbarrier.arrive $0xFFFF  }
0x108: {  	p0 =	sne.s32 s0, $0x0;
	s0 =	rddreg [dreg:$0x3]  }
0x109: {  	s0 =	sadd.s32 @!p0 $0x100000, s0  }
0x10a: {  	[sflag:s0] =	ssyncadd.tile.s32 @!p0 $0x1;
	_ =	shalt  }
.Lfunc_end2:
_tile_overlayer_lowered:
.L_overlay_start_2:
0x10b: {  	(tag) =	ssettag $0x2  }
0x10c: {  	s0 =	rddreg [dreg:$0x0];
	s2 =	stileid.u32  }
0x10d: {  	s1 =	rddreg [dreg:$0x1];
	p0 =	sne.s32 s2, $0x0  }
0x10e: {  	s3 =	rddreg [dreg:$0x2];
	[bflag:$0x3] =	sbarrier.arrive $0xFFFF;
	s2 =	simm.s32 @!p0 $0x1C03  }
0x10f: {  	[timem:s3], [sflag:s2] =	dma.local @!p0 [hbm:s0], s1  }
0x110: {  	s0 =	simm.s32 @!p0 $0x3  }
0x111: {  	_ =	swait.ge @!p0 [sflag:s0], s1  }
0x112: {  	s1 =	ssub.s32 @!p0 $0x0, s1;
	[sflag:s0] =	ssyncset.done @!p0 $0x0  }
0x113: {  	[sflag:s0] =	ssyncadd.s32 @!p0 s1  }
0x114: {  	[bflag:$0x3] =	sbarrier.arrive $0xFFFF  }
0x115: {  	_ =	shalt  }

// kernel: kernel.15.cloned.1.call-start
scs
__scs_entry_jumppad:
0x0: {  	(pc) =	sbr.rel $0x88, $3  }
0x1: {  	(tag) =	ssettag $0x0;
	lr =	simm.s32 $0x1  }
0x2: {  	[smem:$0x3F9B] =	sst lr;
	_ =	strace $0xD0000000  }
0x3: {  	_ = 	snop  }
0x4: {  	_ = 	snop  }
0x5: {  	_ = 	snop  }
0x6: {  	_ = 	snop  }
0x7: {  	_ = 	snop  }
__scs_overlays_trampoline_lowered:
0x8: {  	[smem:$0x3FAA] =	sst s0  }
0x9: {  	[smem:$0x3FAB] =	sst s1  }
0xa: {  	[smem:$0x3FAC] =	sst s2  }
0xb: {  	[smem:$0x3FAD] =	sst s3  }
0xc: {  	[smem:$0x3FAE] =	sst s4  }
0xd: {  	[smem:$0x3FAF] =	sst s5  }
0xe: {  	[smem:$0x3FB0] =	sst s6  }
0xf: {  	[smem:$0x3FB1] =	sst s7  }
0x10: {  	[smem:$0x3FB2] =	sst s8  }
0x11: {  	[smem:$0x3FB3] =	sst s9;
	s0 =	simm.s32 @!p0 $0x0  }
0x12: {  	s1 =	sld [smem:$0x3F99];
	s0 =	simm.s32 @p0 $0x1  }
0x13: {  	[smem:$0x3FB4] =	sst s0;
	s0 =	simm.s32 @!p1 $0x0  }
0x14: {  	s2 =	sld [smem:$0x3F98];
	s0 =	simm.s32 @p1 $0x1  }
0x15: {  	[smem:$0x3FB5] =	sst s0;
	s0 =	simm.s32 @!p2 $0x0  }
0x16: {  	s3 =	sld [smem:$0x3FDB];
	s0 =	simm.s32 @p2 $0x1  }
0x17: {  	s4 =	simm.s32 $0x1BF5;
	[smem:$0x3FB7] =	sst s0  }
0x18: {  	s0 =	sld [smem:$0x3F9A];
	_ =	swait.ge [sflag:s4], $0x0  }
0x19: {  	s7 =	sld [smem:$0x3F9B]  }
0x1a: {  	s8 =	sadd.s32 $0xFFFFE003, lr  }
0x1b: {  	s9 =	sadd.s32 $0xFFFFFEF7, lr;
	s5 =	simm.s32 $0xFFFFFFFF;
	p2 =	slt.u32 s8, $0xFFFFF086  }
0x1c: {  	p1 =	slt.u32 s9, $0xF7A;
	s5 =	simm.s32 @!p2 $0x0  }
0x1d: {  	s5 =	simm.s32 @p1 $0x1;
	p0 =	seq.s32 s7, s2  }
0x1e: {  	s7 =	smul.u32 @!p0 $0xF7A, s2;
	p2 =	seq.s32 @!p0 s5, $0x0  }
0x1f: {  	s9 =	smul.u32 $0xF7A, s1;
	s8 =	simm.s32 @!p0 $0x1BF5;
	p2 =	por !p2, p0  }
0x20: {  	[sflag:s8] =	ssyncset.s32 @!p0 $0xFFFFF086;
	s6 =	sadd.s32 @!p0 s3, s7;
	s7 =	simm.s32 @!p0 $0x108  }
0x21: {  	s3 =	sadd.s32 s3, s9;
	s6 =	sadd.s32 @!p0 $0x88, s6;
	s7 =	simm.s32 @p2 $0x1082  }
0x22: {  	[simem:s7], [sflag:s8] =	dma.local @!p0 [hbm:s6], $0xF7A  }
0x23: {  	s9 =	sor.u32 $0xD0000000, s2;
	s6 =	simm.s32 $0x108;
	_ =	swait.ge @!p0 [sflag:s8], $0x0  }
0x24: {  	s3 =	sadd.s32 $0x88, s3;
	s6 =	simm.s32 @!p1 $0x1082;
	[sflag:s4] =	ssyncset.s32 $0xFFFFF086  }
0x25: {  	[simem:s6], [sflag:s4] =	dma.local [hbm:s3], $0xF7A  }
0x26: {  	[smem:$0x3F9B] =	sst s1;
	(tag) =	ssettag s2;
	_ =	strace s9  }
0x27: {  	s1 =	sld [smem:$0x3FAB]  }
0x28: {  	s2 =	sld [smem:$0x3FAC]  }
0x29: {  	s4 =	sld [smem:$0x3FAE]  }
0x2a: {  	p0 =	seq.s32 s5, $0x0;
	s5 =	sld [smem:$0x3FAF]  }
0x2b: {  	s6 =	sld [smem:$0x3FB0]  }
0x2c: {  	s7 =	sld [smem:$0x3FB1]  }
0x2d: {  	s3 =	simm.s32 $0x108;
	s8 =	sld [smem:$0x3FB2]  }
0x2e: {  	s3 =	simm.s32 @!p0 $0x1082;
	s9 =	sld [smem:$0x3FB3]  }
0x2f: {  	lr =	sadd.s32 s0, s3;
	s0 =	sld [smem:$0x3FAA]  }
0x30: {  	s3 =	sld [smem:$0x3FAD]  }
0x31: {  	[smem:$0x3FB6] =	sst s10  }
0x32: {  	s10 =	sld [smem:$0x3FB4];
	_ =	sdelay $0x3  }
0x33: {  	p0 =	seq.s32 s10, $0x1;
	s10 =	sld [smem:$0x3FB6];
	_ =	sdelay $0x3  }
0x34: {  	[smem:$0x3FB6] =	sst s10  }
0x35: {  	s10 =	sld [smem:$0x3FB5];
	_ =	sdelay $0x3  }
0x36: {  	p1 =	seq.s32 s10, $0x1;
	s10 =	sld [smem:$0x3FB6];
	_ =	sdelay $0x3  }
0x37: {  	[smem:$0x3FB6] =	sst s10  }
0x38: {  	s10 =	sld [smem:$0x3FB7]  }
0x39: {  	_ = 	snop;
	(pc) =	sbr.ind lr, $3  }
0x3a: {  	_ = 	snop  }
0x3b: {  	_ = 	snop  }
0x3c: {  	p2 =	seq.s32 s10, $0x1;
	s10 =	sld [smem:$0x3FB6]  }
0x3d: {  	_ =	shalt  }
0x3e: {  	_ =	shalt  }
0x3f: {  	_ =	shalt  }
0x40: {  	_ =	shalt  }
0x41: {  	_ =	shalt  }
0x42: {  	_ =	shalt  }
0x43: {  	_ =	shalt  }
0x44: {  	_ =	shalt  }
0x45: {  	_ =	shalt  }
0x46: {  	_ =	shalt  }
0x47: {  	_ =	shalt  }
0x48: {  	_ =	shalt  }
0x49: {  	_ =	shalt  }
0x4a: {  	_ =	shalt  }
0x4b: {  	_ =	shalt  }
0x4c: {  	_ =	shalt  }
0x4d: {  	_ =	shalt  }
0x4e: {  	_ =	shalt  }
0x4f: {  	_ =	shalt  }
0x50: {  	_ =	shalt  }
0x51: {  	_ =	shalt  }
0x52: {  	_ =	shalt  }
0x53: {  	_ =	shalt  }
0x54: {  	_ =	shalt  }
0x55: {  	_ =	shalt  }
0x56: {  	_ =	shalt  }
0x57: {  	_ =	shalt  }
0x58: {  	_ =	shalt  }
0x59: {  	_ =	shalt  }
0x5a: {  	_ =	shalt  }
0x5b: {  	_ =	shalt  }
0x5c: {  	_ =	shalt  }
0x5d: {  	_ =	shalt  }
0x5e: {  	_ =	shalt  }
0x5f: {  	_ =	shalt  }
0x60: {  	_ =	shalt  }
0x61: {  	_ =	shalt  }
0x62: {  	_ =	shalt  }
0x63: {  	_ =	shalt  }
0x64: {  	_ =	shalt  }
0x65: {  	_ =	shalt  }
0x66: {  	_ =	shalt  }
0x67: {  	_ =	shalt  }
0x68: {  	_ =	shalt  }
0x69: {  	_ =	shalt  }
0x6a: {  	_ =	shalt  }
0x6b: {  	_ =	shalt  }
0x6c: {  	_ =	shalt  }
0x6d: {  	_ =	shalt  }
0x6e: {  	_ =	shalt  }
0x6f: {  	_ =	shalt  }
0x70: {  	_ =	shalt  }
0x71: {  	_ =	shalt  }
0x72: {  	_ =	shalt  }
0x73: {  	_ =	shalt  }
0x74: {  	_ =	shalt  }
0x75: {  	_ =	shalt  }
0x76: {  	_ =	shalt  }
0x77: {  	_ =	shalt  }
0x78: {  	_ =	shalt  }
0x79: {  	_ =	shalt  }
0x7a: {  	_ =	shalt  }
0x7b: {  	_ =	shalt  }
0x7c: {  	_ =	shalt  }
0x7d: {  	_ =	shalt  }
0x7e: {  	_ =	shalt  }
0x7f: {  	_ =	shalt  }
0x80: {  	_ =	shalt  }
0x81: {  	_ =	shalt  }
0x82: {  	_ =	shalt  }
0x83: {  	_ =	shalt  }
0x84: {  	_ =	shalt  }
0x85: {  	_ =	shalt  }
0x86: {  	_ =	shalt  }
0x87: {  	_ =	shalt  }
.Lfunc_end0:
.L_simem_size_0:
called_computation.2_lowered:
.L_overlay_start_0:
0x88: {  	s2 =	sld [smem:$0x3FD9]  }
0x89: {  	s3 =	sld [smem:$0x3FFE];
	_ =	sdelay $0x1  }
0x8a: {  	s1 =	srdreg.scid  }
0x8b: {  	s0 =	sand.u32 $0x1, s1  }
0x8c: {  	s17 =	sshll.u32 s0, $0xA;
	s2 =	sadd.s32 s3, s2  }
0x8d: {  	s2 =	sadd.s32 s2, s17  }
0x8e: {  	[smem:$0x3FC2] =	sst s2  }
0x8f: {  	_ = 	snop  }
0x90: {  	s2 =	sld [smem:$0x3FD0];
	(tm) =	ssettm $0x1  }
0x91: {  	s18 =	sld [smem:$0x3FFB];
	_ =	sdelay $0x3  }
0x92: {  	_ =	strace s18  }
0x93: {  	s3 =	sld [smem:$0x3FFC];
	_ =	sdelay $0x3  }
0x94: {  	_ =	strace s3  }
0x95: {  	s3 =	sld [smem:$0x3FFD];
	_ =	sdelay $0x3  }
0x96: {  	_ =	strace s3  }
0x97: {  	_ =	strace $0x8FFFFFFF  }
0x98: {  	s19 =	sld [smem:$0x3FDB];
	_ =	sdelay $0x1  }
0x99: {  	s4 =	simm.s32 $_scs_section_size  }
0x9a: {  	s5 =	simm.s32 $_size__tile_overlayer_lowered;
	s6 =	simm.s32 $_tile_overlayer_lowered  }
0x9b: {  	s22 =	simm.s32 $0x1BFF;
	s21 =	sshll.u32 s6, $0x1;
	s3 =	sadd.s32 s4, s19  }
0x9c: {  	s7 =	simm.s32 $0x0;
	s20 =	sshll.u32 s5, $0x1;
	s5 =	sadd.s32 s21, s3  }
0x9d: {  	[timem:s7], [sflag:s22] =	dma.local [hbm:s5], s20  }
0x9e: {  	_ =	swait.ge [sflag:s22], s20  }
0x9f: {  	s4 =	ssub.s32 $0x0, s20;
	[sflag:s22] =	ssyncset.done $0x0  }
0xa0: {  	[sflag:s22] =	ssyncadd.s32 s4;
	_ =	sdelay $0x1  }
0xa1: {  	s23 =	simm.s32 $0x1B8B  }
0xa2: {  	_ =	swait.ge [sflag:s23], $0x1  }
0xa3: {  	[sflag:s23] =	ssyncset.done $0x0  }
0xa4: {  	s25 =	simm.s32 $0x1B8E;
	s24 =	sld [smem:$0x3FFE];
	[sflag:s23] =	ssyncadd.s32 $0xFFFFFFFF  }
0xa5: {  	s26 =	simm.s32 $execute0_lowered;
	[smem:$0x3FD2] =	sst s25  }
0xa6: {  	s5 =	sshll.u32 s26, $0x1;
	_ =	strace $0x8000004C;
	[dreg:$0x1] =	wrdreg $0xFFFFFFFF  }
0xa7: {  	s28 =	simm.s32 $_size_execute0_lowered;
	s3 =	sadd.s32 s3, s5;
	[dreg:$0x0] =	wrdreg $0x0  }
0xa8: {  	s5 =	sshll.u32 s28, $0x1;
	[dreg:$0x2] =	wrdreg s3  }
0xa9: {  	[dreg:$0x3] =	wrdreg s5  }
0xaa: {  	[dreg:$0x4] =	wrdreg $0xC0  }
0xab: {  	_ =	task [dreg:s7], $0x5FFFF  }
0xac: {  	[dreg:$0x1] =	wrdreg $0xFFFFFFFF  }
0xad: {  	[dreg:$0x0] =	wrdreg $0x60  }
0xae: {  	[dreg:$0x2] =	wrdreg s24  }
0xaf: {  	[dreg:$0x3] =	wrdreg s2  }
0xb0: {  	[dreg:$0x4] =	wrdreg $0x88000  }
0xb1: {  	[dreg:$0x5] =	wrdreg $0x9  }
0xb2: {  	_ =	task.clear_ibuf [dreg:s7], $0x6FFFF;
	_ =	strace $0x9000004C  }
0xb3: {  	s29 =	simm.s32 $0x9;
	_ =	strace $0x8000004E  }
0xb4: {  	_ =	swait.ge [sflag:s29], $0x1  }
0xb5: {  	[sflag:s29] =	ssyncadd.s32 $0xFFFFFFFF  }
0xb6: {  	_ =	strace $0x9000004E  }
0xb7: {  	_ =	sfence  }
0xb8: {  	s30 =	sld [smem:$0x0];
	_ =	sdelay $0x2  }
0xb9: {  	s31 =	sshll.u32 s1, $0xD;
	s1 =	sshrl.u32 s1, $0x2  }
0xba: {  	s3 =	sand.u32 $0x4000, s31;
	s1 =	sadd.s32 s1, s30  }
0xbb: {  	s0 =	sor.u32 s3, s0;
	s1 =	sshll.u32 s1, $0x11  }
0xbc: {  	s0 =	sor.u32 s1, s0  }
0xbd: {  	s0 =	sadd.s32 $0x8F2B, s0  }
0xbe: {  	[sflag:s0] =	ssyncadd.remote.s32 $0x1  }
0xbf: {  	_ =	sfence.sel $0xFFFF  }
0xc0: {  	[dreg:$0x0] =	wrdreg $0xFFFFFFFF;
	(pc) =	sbr.abs _section_cstart, $3  }
0xc1: {  	[dreg:$0x1] =	wrdreg $0xFFFFFFFF  }
0xc2: {  	_ =	task.clear_ibuf [dreg:s7], $0x2FFFF;
	_ =	strace $0x9FFFFFFF  }
0xc3: {  	(tm) =	ssettm $0x7FFFFFFF  }
tec
execute0_lowered:
.L_overlay_start_1:
0x0: {  	(tag) =	ssettag $0x1  }
0x1: {  	s0 =	rddreg [dreg:$0x0]  }
0x2: {  	s1 =	rddreg [dreg:$0x1];
	s12 =	stileid.u32  }
0x3: {  	s3 =	srdreg.scid;
	s2 =	rddreg [dreg:$0x2];
	s14 =	simm.s32 $0x80  }
0x4: {  	s15 =	simm.s32 $0x800;
	s16 =	simm.s32 $0x4800;
	s17 =	simm.s32 $0x1  }
0x5: {  	s18 =	simm.s32 $0x100;
	s28 =	simm.s32 $0x300;
	s29 =	simm.s32 $0x680  }
0x6: {  	s30 =	simm.s32 $0x380;
	s31 =	simm.s32 $0x700;
	s5 =	smul.u32 $0xA00, s12  }
0x7: {  	s6 =	sand.u32 $0x1, s3;
	s3 =	simm.s32 $0x0;
	s8 =	smul.u32 $0x14000, s12  }
0x8: {  	s4 =	sadd.s32 $0x2800, s0;
	s11 =	smul.u32 $0x50000, s12;
	s13 =	sadd.s32 $0x52A00, s0  }
0x9: {  	s22 =	sshll.u32 s12, $0x6;
	s12 =	simm.s32 $0x3;
	s7 =	smul.u32 $0x140000, s6  }
0xa: {  	[smem:$0x7FF] =	sst s3;
	s19 =	ssub.s32 $0x2, s6;
	s23 =	smul.u32 $0x500, s6  }
0xb: {  	s6 =	sor.u32 $0x1C03, s22;
	s22 =	simm.s32 $0x500;
	_ =	strace $0x8000004D  }
0xc: {  	s9 =	sadd.s32 s5, s0;
	s10 =	sshrl.u32 s19, $0x1;
	[dreg:$0x4] =	wrdreg s13  }
0xd: {  	s21 =	sshrl.u32 s11, $0x2;
	s25 =	sadd.s32 s5, s1;
	s13 =	simm.s32 $0x400  }
0xe: {  	s1 =	simm.s32 $0x780;
	[dreg:$0x5] =	wrdreg s6;
	s7 =	sadd.s32 s8, s7  }
0xf: {  	s20 =	ssub.s32 s19, s10;
	s8 =	sadd.s32 s21, s2;
	s26 =	sadd.s32 s23, s9  }
0x10: {  	s9 =	sadd.s32 s23, s25;
	s19 =	simm.s32 $0x2;
	s21 =	simm.s32 $0x180  }
0x11: {  	s23 =	simm.s32 $0x200;
	s25 =	simm.s32 $0x280;
	s7 =	sshrl.u32 s7, $0x3  }
0x12: {  	s24 =	smax.u32 s20, $0x1;
	s10 =	sadd.s32 $0x55C00, s26;
	s20 =	simm.s32 $0x480  }
0x13: {  	s0 =	sadd.s32 s7, s0;
	[dreg:$0x7] =	wrdreg s24;
	s7 =	sshrl.u32 s8, $0x3  }
0x14: {  	s26 =	simm.s32 $0x600;
	s0 =	sadd.s32 $0x5FC00, s0;
	[dreg:$0x8] =	wrdreg s7  }
0x15: {  	s24 =	simm.s32 $0x580;
	[dreg:$0x6] =	wrdreg s0;
	s0 =	simm.s32 $0x0  }
.LBB2_1:
0x16: {  	s5 =	rddreg [dreg:$0x4]  }
0x17: {  	[spmem:s7], [sflag:s6] =	dma.local [hbm:s5], $0x2800  }
0x18: {  	_ =	swait.ge [sflag:s12], $0x2800  }
0x19: {  	[sflag:s12] =	ssyncset.done $0x0  }
0x1a: {  	[sflag:s12] =	ssyncadd.s32 $0xFFFFD800  }
0x1b: {  	s8 =	sadd.s32 $0x0, s10;
	[bflag:$0x0] =	sbarrier.arrive $0xFFFF  }
0x1c: {  	[tilespmem:s3], [sflag:$0x3] =	stream.linear.gather [hbm4b:s8+s3], $0x400, $0x38;
	[tilespmem:$0x1C800] =	vst v63  }
0x1d: {  	_ =	swait.ge [sflag:s12], $0x400  }
0x1e: {  	[sflag:s12] =	ssyncset.done $0x0  }
0x1f: {  	s11 =	sadd.s32 $0x0, s9;
	[sflag:s12] =	ssyncadd.s32 $0xFFFFFC00  }
0x20: {  	[tilespmem:s13], [sflag:$0x3] =	stream.linear.gather [hbm4b:s11+s3], $0x400, $0x38;
	[tilespmem:$0x1C800] =	vst v63  }
0x21: {  	_ =	swait.ge [sflag:s12], $0x400  }
0x22: {  	[sflag:s12] =	ssyncset.done $0x0  }
0x23: {  	[sflag:s12] =	ssyncadd.s32 $0xFFFFFC00  }
0x24: {  	[tilespmem:s15], [sflag:$0x1] =	stream.indirect.gather [hbm4b:s4+s14], $0x80, s3, s14, $0xb8;
	[tilespmem:$0x1C800] =	vst v63  }
0x25: {  	_ = 	snop  }
0x26: {  	[tilespmem:s16], [sflag:$0x2] =	stream.indirect.gather [hbm4b:s4+s14], $0x80, s14, s14, $0xb8;
	[tilespmem:$0x1C800] =	vst v63  }
0x27: {  	_ =	swait.ge [sflag:s17], $0x4000  }
0x28: {  	[sflag:s17] =	ssyncset.done $0x0  }
0x29: {  	[sflag:s17] =	ssyncadd.s32 $0xFFFFC000  }
0x2a: {  	[spmem:s2] =	stream.indirect.scatter.add.f32 [tilespmem:s15], [sflag:$0x3], $0x80, s13, s14, $0xb8;
	[tilespmem:$0x1C800] =	vst v63  }
0x2b: {  	_ =	swait.ge [sflag:s12], $0x4000  }
0x2c: {  	[sflag:s12] =	ssyncset.done $0x0  }
0x2d: {  	[sflag:s12] =	ssyncadd.s32 $0xFFFFC000  }
0x2e: {  	[tilespmem:s15], [sflag:$0x1] =	stream.indirect.gather [hbm4b:s4+s14], $0x80, s18, s14, $0xb8;
	[tilespmem:$0x1C800] =	vst v63  }
0x2f: {  	_ =	swait.ge [sflag:s19], $0x4000  }
0x30: {  	[sflag:s19] =	ssyncset.done $0x0  }
0x31: {  	[sflag:s19] =	ssyncadd.s32 $0xFFFFC000  }
0x32: {  	[spmem:s2] =	stream.indirect.scatter.add.f32 [tilespmem:s16], [sflag:$0x3], $0x80, s20, s14, $0xb8;
	[tilespmem:$0x1C800] =	vst v63  }
0x33: {  	_ =	swait.ge [sflag:s12], $0x4000  }
0x34: {  	[sflag:s12] =	ssyncset.done $0x0  }
0x35: {  	[sflag:s12] =	ssyncadd.s32 $0xFFFFC000  }
0x36: {  	[tilespmem:s16], [sflag:$0x2] =	stream.indirect.gather [hbm4b:s4+s14], $0x80, s21, s14, $0xb8;
	[tilespmem:$0x1C800] =	vst v63  }
0x37: {  	_ =	swait.ge [sflag:s17], $0x4000  }
0x38: {  	[sflag:s17] =	ssyncset.done $0x0  }
0x39: {  	[sflag:s17] =	ssyncadd.s32 $0xFFFFC000  }
0x3a: {  	[spmem:s2] =	stream.indirect.scatter.add.f32 [tilespmem:s15], [sflag:$0x3], $0x80, s22, s14, $0xb8;
	[tilespmem:$0x1C800] =	vst v63  }
0x3b: {  	_ =	swait.ge [sflag:s12], $0x4000  }
0x3c: {  	[sflag:s12] =	ssyncset.done $0x0  }
0x3d: {  	[sflag:s12] =	ssyncadd.s32 $0xFFFFC000  }
0x3e: {  	[tilespmem:s15], [sflag:$0x1] =	stream.indirect.gather [hbm4b:s4+s14], $0x80, s23, s14, $0xb8;
	[tilespmem:$0x1C800] =	vst v63  }
0x3f: {  	_ =	swait.ge [sflag:s19], $0x4000  }
0x40: {  	[sflag:s19] =	ssyncset.done $0x0  }
0x41: {  	[sflag:s19] =	ssyncadd.s32 $0xFFFFC000  }
0x42: {  	[spmem:s2] =	stream.indirect.scatter.add.f32 [tilespmem:s16], [sflag:$0x3], $0x80, s24, s14, $0xb8;
	[tilespmem:$0x1C800] =	vst v63  }
0x43: {  	_ =	swait.ge [sflag:s12], $0x4000  }
0x44: {  	[sflag:s12] =	ssyncset.done $0x0  }
0x45: {  	[sflag:s12] =	ssyncadd.s32 $0xFFFFC000  }
0x46: {  	[tilespmem:s16], [sflag:$0x2] =	stream.indirect.gather [hbm4b:s4+s14], $0x80, s25, s14, $0xb8;
	[tilespmem:$0x1C800] =	vst v63  }
0x47: {  	_ =	swait.ge [sflag:s17], $0x4000  }
0x48: {  	[sflag:s17] =	ssyncset.done $0x0  }
0x49: {  	[sflag:s17] =	ssyncadd.s32 $0xFFFFC000  }
0x4a: {  	[spmem:s2] =	stream.indirect.scatter.add.f32 [tilespmem:s15], [sflag:$0x3], $0x80, s26, s14, $0xb8;
	[tilespmem:$0x1C800] =	vst v63  }
0x4b: {  	_ =	swait.ge [sflag:s12], $0x4000  }
0x4c: {  	[sflag:s12] =	ssyncset.done $0x0  }
0x4d: {  	[sflag:s12] =	ssyncadd.s32 $0xFFFFC000  }
0x4e: {  	[tilespmem:s15], [sflag:$0x1] =	stream.indirect.gather [hbm4b:s4+s14], $0x80, s28, s14, $0xb8;
	[tilespmem:$0x1C800] =	vst v63  }
0x4f: {  	_ =	swait.ge [sflag:s19], $0x4000  }
0x50: {  	[sflag:s19] =	ssyncset.done $0x0  }
0x51: {  	[sflag:s19] =	ssyncadd.s32 $0xFFFFC000  }
0x52: {  	[spmem:s2] =	stream.indirect.scatter.add.f32 [tilespmem:s16], [sflag:$0x3], $0x80, s29, s14, $0xb8;
	[tilespmem:$0x1C800] =	vst v63  }
0x53: {  	_ =	swait.ge [sflag:s12], $0x4000  }
0x54: {  	[sflag:s12] =	ssyncset.done $0x0  }
0x55: {  	[sflag:s12] =	ssyncadd.s32 $0xFFFFC000  }
0x56: {  	[tilespmem:s16], [sflag:$0x2] =	stream.indirect.gather [hbm4b:s4+s14], $0x80, s30, s14, $0xb8;
	[tilespmem:$0x1C800] =	vst v63  }
0x57: {  	_ =	swait.ge [sflag:s17], $0x4000  }
0x58: {  	[sflag:s17] =	ssyncset.done $0x0  }
0x59: {  	[sflag:s17] =	ssyncadd.s32 $0xFFFFC000  }
0x5a: {  	[spmem:s2] =	stream.indirect.scatter.add.f32 [tilespmem:s15], [sflag:$0x3], $0x80, s31, s14, $0xb8;
	[tilespmem:$0x1C800] =	vst v63  }
0x5b: {  	_ =	swait.ge [sflag:s12], $0x4000  }
0x5c: {  	[sflag:s12] =	ssyncset.done $0x0  }
0x5d: {  	[sflag:s12] =	ssyncadd.s32 $0xFFFFC000  }
0x5e: {  	_ =	swait.ge [sflag:s19], $0x4000  }
0x5f: {  	[sflag:s19] =	ssyncset.done $0x0  }
0x60: {  	[sflag:s19] =	ssyncadd.s32 $0xFFFFC000  }
0x61: {  	[spmem:s2] =	stream.indirect.scatter.add.f32 [tilespmem:s16], [sflag:$0x3], $0x80, s1, s14, $0xb8;
	[tilespmem:$0x1C800] =	vst v63  }
0x62: {  	_ =	swait.ge [sflag:s12], $0x4000  }
0x63: {  	s5 =	simm.s32 $0x80;
	s7 =	simm.s32 $0x100;
	[sflag:s12] =	ssyncset.done $0x0  }
.LBB2_2:
0x64: {  	s6 =	sadd.s32 s5, s10  }
0x65: {  	[sflag:s12] =	ssyncadd.s32 $0xFFFFC000;
	s11 =	smov.u32 s7;
	s8 =	sadd.s32 $0x80, s7  }
0x66: {  	[tilespmem:s3], [sflag:$0x3] =	stream.linear.gather [hbm4b:s6+s3], $0x400, $0x38;
	[tilespmem:$0x1C800] =	vst v63  }
0x67: {  	p0 =	sne.s32 s7, $0x480;
	_ =	swait.ge [sflag:s12], $0x400  }
0x68: {  	[sflag:s12] =	ssyncset.done $0x0  }
0x69: {  	s6 =	sadd.s32 s5, s9;
	s5 =	smov.u32 s11;
	[sflag:s12] =	ssyncadd.s32 $0xFFFFFC00  }
0x6a: {  	[tilespmem:s13], [sflag:$0x3] =	stream.linear.gather [hbm4b:s6+s3], $0x400, $0x38;
	[tilespmem:$0x1C800] =	vst v63  }
0x6b: {  	_ =	swait.ge [sflag:s12], $0x400  }
0x6c: {  	[sflag:s12] =	ssyncset.done $0x0  }
0x6d: {  	[sflag:s12] =	ssyncadd.s32 $0xFFFFFC00  }
0x6e: {  	[tilespmem:s15], [sflag:$0x1] =	stream.indirect.gather [hbm4b:s4+s14], $0x80, s3, s14, $0xb8;
	[tilespmem:$0x1C800] =	vst v63  }
0x6f: {  	_ = 	snop  }
0x70: {  	[tilespmem:s16], [sflag:$0x2] =	stream.indirect.gather [hbm4b:s4+s14], $0x80, s14, s14, $0xb8;
	[tilespmem:$0x1C800] =	vst v63  }
0x71: {  	_ =	swait.ge [sflag:s17], $0x4000  }
0x72: {  	[sflag:s17] =	ssyncset.done $0x0  }
0x73: {  	[sflag:s17] =	ssyncadd.s32 $0xFFFFC000  }
0x74: {  	[spmem:s2] =	stream.indirect.scatter.add.f32 [tilespmem:s15], [sflag:$0x3], $0x80, s13, s14, $0xb8;
	[tilespmem:$0x1C800] =	vst v63  }
0x75: {  	_ =	swait.ge [sflag:s12], $0x4000  }
0x76: {  	[sflag:s12] =	ssyncset.done $0x0  }
0x77: {  	[sflag:s12] =	ssyncadd.s32 $0xFFFFC000  }
0x78: {  	[tilespmem:s15], [sflag:$0x1] =	stream.indirect.gather [hbm4b:s4+s14], $0x80, s18, s14, $0xb8;
	[tilespmem:$0x1C800] =	vst v63  }
0x79: {  	_ =	swait.ge [sflag:s19], $0x4000  }
0x7a: {  	[sflag:s19] =	ssyncset.done $0x0  }
0x7b: {  	[sflag:s19] =	ssyncadd.s32 $0xFFFFC000  }
0x7c: {  	[spmem:s2] =	stream.indirect.scatter.add.f32 [tilespmem:s16], [sflag:$0x3], $0x80, s20, s14, $0xb8;
	[tilespmem:$0x1C800] =	vst v63  }
0x7d: {  	_ =	swait.ge [sflag:s12], $0x4000  }
0x7e: {  	[sflag:s12] =	ssyncset.done $0x0  }
0x7f: {  	[sflag:s12] =	ssyncadd.s32 $0xFFFFC000  }
0x80: {  	[tilespmem:s16], [sflag:$0x2] =	stream.indirect.gather [hbm4b:s4+s14], $0x80, s21, s14, $0xb8;
	[tilespmem:$0x1C800] =	vst v63  }
0x81: {  	_ =	swait.ge [sflag:s17], $0x4000  }
0x82: {  	[sflag:s17] =	ssyncset.done $0x0  }
0x83: {  	[sflag:s17] =	ssyncadd.s32 $0xFFFFC000  }
0x84: {  	[spmem:s2] =	stream.indirect.scatter.add.f32 [tilespmem:s15], [sflag:$0x3], $0x80, s22, s14, $0xb8;
	[tilespmem:$0x1C800] =	vst v63  }
0x85: {  	_ =	swait.ge [sflag:s12], $0x4000  }
0x86: {  	[sflag:s12] =	ssyncset.done $0x0  }
0x87: {  	[sflag:s12] =	ssyncadd.s32 $0xFFFFC000  }
0x88: {  	[tilespmem:s15], [sflag:$0x1] =	stream.indirect.gather [hbm4b:s4+s14], $0x80, s23, s14, $0xb8;
	[tilespmem:$0x1C800] =	vst v63  }
0x89: {  	_ =	swait.ge [sflag:s19], $0x4000  }
0x8a: {  	[sflag:s19] =	ssyncset.done $0x0  }
0x8b: {  	[sflag:s19] =	ssyncadd.s32 $0xFFFFC000  }
0x8c: {  	[spmem:s2] =	stream.indirect.scatter.add.f32 [tilespmem:s16], [sflag:$0x3], $0x80, s24, s14, $0xb8;
	[tilespmem:$0x1C800] =	vst v63  }
0x8d: {  	_ =	swait.ge [sflag:s12], $0x4000  }
0x8e: {  	[sflag:s12] =	ssyncset.done $0x0  }
0x8f: {  	[sflag:s12] =	ssyncadd.s32 $0xFFFFC000  }
0x90: {  	[tilespmem:s16], [sflag:$0x2] =	stream.indirect.gather [hbm4b:s4+s14], $0x80, s25, s14, $0xb8;
	[tilespmem:$0x1C800] =	vst v63  }
0x91: {  	_ =	swait.ge [sflag:s17], $0x4000  }
0x92: {  	[sflag:s17] =	ssyncset.done $0x0  }
0x93: {  	[sflag:s17] =	ssyncadd.s32 $0xFFFFC000  }
0x94: {  	[spmem:s2] =	stream.indirect.scatter.add.f32 [tilespmem:s15], [sflag:$0x3], $0x80, s26, s14, $0xb8;
	[tilespmem:$0x1C800] =	vst v63  }
0x95: {  	_ =	swait.ge [sflag:s12], $0x4000  }
0x96: {  	[sflag:s12] =	ssyncset.done $0x0  }
0x97: {  	[sflag:s12] =	ssyncadd.s32 $0xFFFFC000  }
0x98: {  	[tilespmem:s15], [sflag:$0x1] =	stream.indirect.gather [hbm4b:s4+s14], $0x80, s28, s14, $0xb8;
	[tilespmem:$0x1C800] =	vst v63  }
0x99: {  	_ =	swait.ge [sflag:s19], $0x4000  }
0x9a: {  	[sflag:s19] =	ssyncset.done $0x0  }
0x9b: {  	[sflag:s19] =	ssyncadd.s32 $0xFFFFC000  }
0x9c: {  	[spmem:s2] =	stream.indirect.scatter.add.f32 [tilespmem:s16], [sflag:$0x3], $0x80, s29, s14, $0xb8;
	[tilespmem:$0x1C800] =	vst v63  }
0x9d: {  	_ =	swait.ge [sflag:s12], $0x4000  }
0x9e: {  	[sflag:s12] =	ssyncset.done $0x0  }
0x9f: {  	[sflag:s12] =	ssyncadd.s32 $0xFFFFC000  }
0xa0: {  	[tilespmem:s16], [sflag:$0x2] =	stream.indirect.gather [hbm4b:s4+s14], $0x80, s30, s14, $0xb8;
	[tilespmem:$0x1C800] =	vst v63  }
0xa1: {  	_ =	swait.ge [sflag:s17], $0x4000  }
0xa2: {  	[sflag:s17] =	ssyncset.done $0x0  }
0xa3: {  	[sflag:s17] =	ssyncadd.s32 $0xFFFFC000  }
0xa4: {  	[spmem:s2] =	stream.indirect.scatter.add.f32 [tilespmem:s15], [sflag:$0x3], $0x80, s31, s14, $0xb8;
	[tilespmem:$0x1C800] =	vst v63  }
0xa5: {  	_ =	swait.ge [sflag:s12], $0x4000  }
0xa6: {  	[sflag:s12] =	ssyncset.done $0x0  }
0xa7: {  	[sflag:s12] =	ssyncadd.s32 $0xFFFFC000  }
0xa8: {  	_ =	swait.ge [sflag:s19], $0x4000  }
.Ltmp0:
0xa9: {  	[sflag:s19] =	ssyncset.done $0x0;
	(pc) =	sbr.rel @p0 .LBB2_2-.Ltmp0, $4  }
0xaa: {  	[sflag:s19] =	ssyncadd.s32 $0xFFFFC000  }
0xab: {  	[spmem:s2] =	stream.indirect.scatter.add.f32 [tilespmem:s16], [sflag:$0x3], $0x80, s1, s14, $0xb8;
	[tilespmem:$0x1C800] =	vst v63  }
0xac: {  	_ =	swait.ge [sflag:s12], $0x4000  }
0xad: {  	s7 =	smov.u32 s8;
	[sflag:s12] =	ssyncset.done $0x0  }
0xae: {  	s6 =	sadd.s32 s5, s10;
	[sflag:s12] =	ssyncadd.s32 $0xFFFFC000  }
0xaf: {  	[tilespmem:s3], [sflag:$0x3] =	stream.linear.gather [hbm4b:s6+s3], $0x400, $0x38;
	[tilespmem:$0x1C800] =	vst v63  }
0xb0: {  	_ =	swait.ge [sflag:s12], $0x400  }
0xb1: {  	[sflag:s12] =	ssyncset.done $0x0  }
0xb2: {  	s7 =	sadd.s32 s5, s9;
	[sflag:s12] =	ssyncadd.s32 $0xFFFFFC00  }
0xb3: {  	[tilespmem:s13], [sflag:$0x3] =	stream.linear.gather [hbm4b:s7+s3], $0x400, $0x38;
	[tilespmem:$0x1C800] =	vst v63  }
0xb4: {  	_ =	swait.ge [sflag:s12], $0x400  }
0xb5: {  	[sflag:s12] =	ssyncset.done $0x0  }
0xb6: {  	[sflag:s12] =	ssyncadd.s32 $0xFFFFFC00  }
0xb7: {  	[tilespmem:s15], [sflag:$0x1] =	stream.indirect.gather [hbm4b:s4+s14], $0x80, s3, s14, $0xb8;
	[tilespmem:$0x1C800] =	vst v63  }
0xb8: {  	_ = 	snop  }
0xb9: {  	[tilespmem:s16], [sflag:$0x2] =	stream.indirect.gather [hbm4b:s4+s14], $0x80, s14, s14, $0xb8;
	[tilespmem:$0x1C800] =	vst v63  }
0xba: {  	_ =	swait.ge [sflag:s17], $0x4000  }
0xbb: {  	[sflag:s17] =	ssyncset.done $0x0  }
0xbc: {  	[sflag:s17] =	ssyncadd.s32 $0xFFFFC000  }
0xbd: {  	[spmem:s2] =	stream.indirect.scatter.add.f32 [tilespmem:s15], [sflag:$0x3], $0x80, s13, s14, $0xb8;
	[tilespmem:$0x1C800] =	vst v63  }
0xbe: {  	_ =	swait.ge [sflag:s12], $0x4000  }
0xbf: {  	[sflag:s12] =	ssyncset.done $0x0  }
0xc0: {  	[sflag:s12] =	ssyncadd.s32 $0xFFFFC000  }
0xc1: {  	[tilespmem:s15], [sflag:$0x1] =	stream.indirect.gather [hbm4b:s4+s14], $0x80, s18, s14, $0xb8;
	[tilespmem:$0x1C800] =	vst v63  }
0xc2: {  	_ =	swait.ge [sflag:s19], $0x4000  }
0xc3: {  	[sflag:s19] =	ssyncset.done $0x0  }
0xc4: {  	[sflag:s19] =	ssyncadd.s32 $0xFFFFC000  }
0xc5: {  	[spmem:s2] =	stream.indirect.scatter.add.f32 [tilespmem:s16], [sflag:$0x3], $0x80, s20, s14, $0xb8;
	[tilespmem:$0x1C800] =	vst v63  }
0xc6: {  	_ =	swait.ge [sflag:s12], $0x4000  }
0xc7: {  	[sflag:s12] =	ssyncset.done $0x0  }
0xc8: {  	[sflag:s12] =	ssyncadd.s32 $0xFFFFC000  }
0xc9: {  	[tilespmem:s16], [sflag:$0x2] =	stream.indirect.gather [hbm4b:s4+s14], $0x80, s21, s14, $0xb8;
	[tilespmem:$0x1C800] =	vst v63  }
0xca: {  	_ =	swait.ge [sflag:s17], $0x4000  }
0xcb: {  	[sflag:s17] =	ssyncset.done $0x0  }
0xcc: {  	[sflag:s17] =	ssyncadd.s32 $0xFFFFC000  }
0xcd: {  	[spmem:s2] =	stream.indirect.scatter.add.f32 [tilespmem:s15], [sflag:$0x3], $0x80, s22, s14, $0xb8;
	[tilespmem:$0x1C800] =	vst v63  }
0xce: {  	_ =	swait.ge [sflag:s12], $0x4000  }
0xcf: {  	[sflag:s12] =	ssyncset.done $0x0  }
0xd0: {  	[sflag:s12] =	ssyncadd.s32 $0xFFFFC000  }
0xd1: {  	[tilespmem:s15], [sflag:$0x1] =	stream.indirect.gather [hbm4b:s4+s14], $0x80, s23, s14, $0xb8;
	[tilespmem:$0x1C800] =	vst v63  }
0xd2: {  	_ =	swait.ge [sflag:s19], $0x4000  }
0xd3: {  	[sflag:s19] =	ssyncset.done $0x0  }
0xd4: {  	[sflag:s19] =	ssyncadd.s32 $0xFFFFC000  }
0xd5: {  	[spmem:s2] =	stream.indirect.scatter.add.f32 [tilespmem:s16], [sflag:$0x3], $0x80, s24, s14, $0xb8;
	[tilespmem:$0x1C800] =	vst v63  }
0xd6: {  	_ =	swait.ge [sflag:s12], $0x4000  }
0xd7: {  	[sflag:s12] =	ssyncset.done $0x0  }
0xd8: {  	[sflag:s12] =	ssyncadd.s32 $0xFFFFC000  }
0xd9: {  	[tilespmem:s16], [sflag:$0x2] =	stream.indirect.gather [hbm4b:s4+s14], $0x80, s25, s14, $0xb8;
	[tilespmem:$0x1C800] =	vst v63  }
0xda: {  	_ =	swait.ge [sflag:s17], $0x4000  }
0xdb: {  	[sflag:s17] =	ssyncset.done $0x0  }
0xdc: {  	[sflag:s17] =	ssyncadd.s32 $0xFFFFC000  }
0xdd: {  	[spmem:s2] =	stream.indirect.scatter.add.f32 [tilespmem:s15], [sflag:$0x3], $0x80, s26, s14, $0xb8;
	[tilespmem:$0x1C800] =	vst v63  }
0xde: {  	_ =	swait.ge [sflag:s12], $0x4000  }
0xdf: {  	[sflag:s12] =	ssyncset.done $0x0  }
0xe0: {  	[sflag:s12] =	ssyncadd.s32 $0xFFFFC000  }
0xe1: {  	[tilespmem:s15], [sflag:$0x1] =	stream.indirect.gather [hbm4b:s4+s14], $0x80, s28, s14, $0xb8;
	[tilespmem:$0x1C800] =	vst v63  }
0xe2: {  	_ =	swait.ge [sflag:s19], $0x4000  }
0xe3: {  	[sflag:s19] =	ssyncset.done $0x0  }
0xe4: {  	[sflag:s19] =	ssyncadd.s32 $0xFFFFC000  }
0xe5: {  	[spmem:s2] =	stream.indirect.scatter.add.f32 [tilespmem:s16], [sflag:$0x3], $0x80, s29, s14, $0xb8;
	[tilespmem:$0x1C800] =	vst v63  }
0xe6: {  	_ =	swait.ge [sflag:s12], $0x4000  }
0xe7: {  	[sflag:s12] =	ssyncset.done $0x0  }
0xe8: {  	[sflag:s12] =	ssyncadd.s32 $0xFFFFC000  }
0xe9: {  	[tilespmem:s16], [sflag:$0x2] =	stream.indirect.gather [hbm4b:s4+s14], $0x80, s30, s14, $0xb8;
	[tilespmem:$0x1C800] =	vst v63  }
0xea: {  	_ =	swait.ge [sflag:s17], $0x4000  }
0xeb: {  	[sflag:s17] =	ssyncset.done $0x0  }
0xec: {  	[sflag:s17] =	ssyncadd.s32 $0xFFFFC000  }
0xed: {  	[spmem:s2] =	stream.indirect.scatter.add.f32 [tilespmem:s15], [sflag:$0x3], $0x80, s31, s14, $0xb8;
	[tilespmem:$0x1C800] =	vst v63  }
0xee: {  	_ =	swait.ge [sflag:s12], $0x4000  }
0xef: {  	[sflag:s12] =	ssyncset.done $0x0  }
0xf0: {  	[sflag:s12] =	ssyncadd.s32 $0xFFFFC000  }
0xf1: {  	_ =	swait.ge [sflag:s19], $0x4000  }
0xf2: {  	[sflag:s19] =	ssyncset.done $0x0  }
0xf3: {  	[sflag:s19] =	ssyncadd.s32 $0xFFFFC000  }
0xf4: {  	[spmem:s2] =	stream.indirect.scatter.add.f32 [tilespmem:s16], [sflag:$0x3], $0x80, s1, s14, $0xb8;
	[tilespmem:$0x1C800] =	vst v63  }
0xf5: {  	_ =	swait.ge [sflag:s12], $0x4000  }
0xf6: {  	[sflag:s12] =	ssyncset.done $0x0  }
0xf7: {  	[sflag:s12] =	ssyncadd.s32 $0xFFFFC000  }
0xf8: {  	[bflag:$0x0] =	sbarrier.arrive $0xFFFF  }
0xf9: {  	s6 =	rddreg [dreg:$0x5]  }
0xfa: {  	s8 =	rddreg [dreg:$0x6]  }
0xfb: {  	s7 =	rddreg [dreg:$0x8]  }
0xfc: {  	[hbm:s8], [sflag:s6] =	dma.local [spmem:s7], $0x2800  }
0xfd: {  	_ =	swait.ge [sflag:s12], $0x2800  }
0xfe: {  	s0 =	sadd.s32 $0x1, s0;
	s11 =	rddreg [dreg:$0x7]  }
0xff: {  	p0 =	sne.s32 s0, s11  }
.Ltmp1:
0x100: {  	_ = 	snop;
	(pc) =	sbr.rel @p0 .LBB2_1-.Ltmp1, $3  }
0x101: {  	_ =	sdelay $0x1  }
0x102: {  	[sflag:s12] =	ssyncset.done $0x0  }
0x103: {  	[sflag:s12] =	ssyncadd.s32 $0xFFFFD800  }
0x104: {  	_ =	sfence.sel $0x180000  }
0x105: {  	[bflag:$0x0] =	sbarrier.arrive $0xFFFF  }
0x106: {  	_ =	strace $0x9000004D  }
0x107: {  	s0 =	stileid.u32;
	[bflag:$0x2] =	sbarrier.arrive $0xFFFF  }
0x108: {  	p0 =	sne.s32 s0, $0x0;
	s0 =	rddreg [dreg:$0x3]  }
0x109: {  	s0 =	sadd.s32 @!p0 $0x100000, s0  }
0x10a: {  	[sflag:s0] =	ssyncadd.tile.s32 @!p0 $0x1;
	_ =	shalt  }
.Lfunc_end2:
_tile_overlayer_lowered:
.L_overlay_start_2:
0x10b: {  	(tag) =	ssettag $0x2  }
0x10c: {  	s0 =	rddreg [dreg:$0x0];
	s2 =	stileid.u32  }
0x10d: {  	s1 =	rddreg [dreg:$0x1];
	p0 =	sne.s32 s2, $0x0  }
0x10e: {  	s3 =	rddreg [dreg:$0x2];
	[bflag:$0x3] =	sbarrier.arrive $0xFFFF;
	s2 =	simm.s32 @!p0 $0x1C03  }
0x10f: {  	[timem:s3], [sflag:s2] =	dma.local @!p0 [hbm:s0], s1  }
0x110: {  	s0 =	simm.s32 @!p0 $0x3  }
0x111: {  	_ =	swait.ge @!p0 [sflag:s0], s1  }
0x112: {  	s1 =	ssub.s32 @!p0 $0x0, s1;
	[sflag:s0] =	ssyncset.done @!p0 $0x0  }
0x113: {  	[sflag:s0] =	ssyncadd.s32 @!p0 s1  }
0x114: {  	[bflag:$0x3] =	sbarrier.arrive $0xFFFF  }
0x115: {  	_ =	shalt  }

// kernel: kernel.9.cloned.1.call-start
scs
__scs_entry_jumppad:
0x0: {  	(pc) =	sbr.rel $0x88, $3  }
0x1: {  	(tag) =	ssettag $0x0;
	lr =	simm.s32 $0x1  }
0x2: {  	[smem:$0x3F9B] =	sst lr;
	_ =	strace $0xD0000000  }
0x3: {  	_ = 	snop  }
0x4: {  	_ = 	snop  }
0x5: {  	_ = 	snop  }
0x6: {  	_ = 	snop  }
0x7: {  	_ = 	snop  }
__scs_overlays_trampoline_lowered:
0x8: {  	[smem:$0x3FAA] =	sst s0  }
0x9: {  	[smem:$0x3FAB] =	sst s1  }
0xa: {  	[smem:$0x3FAC] =	sst s2  }
0xb: {  	[smem:$0x3FAD] =	sst s3  }
0xc: {  	[smem:$0x3FAE] =	sst s4  }
0xd: {  	[smem:$0x3FAF] =	sst s5  }
0xe: {  	[smem:$0x3FB0] =	sst s6  }
0xf: {  	[smem:$0x3FB1] =	sst s7  }
0x10: {  	[smem:$0x3FB2] =	sst s8  }
0x11: {  	[smem:$0x3FB3] =	sst s9;
	s0 =	simm.s32 @!p0 $0x0  }
0x12: {  	s1 =	sld [smem:$0x3F99];
	s0 =	simm.s32 @p0 $0x1  }
0x13: {  	[smem:$0x3FB4] =	sst s0;
	s0 =	simm.s32 @!p1 $0x0  }
0x14: {  	s2 =	sld [smem:$0x3F98];
	s0 =	simm.s32 @p1 $0x1  }
0x15: {  	[smem:$0x3FB5] =	sst s0;
	s0 =	simm.s32 @!p2 $0x0  }
0x16: {  	s3 =	sld [smem:$0x3FDB];
	s0 =	simm.s32 @p2 $0x1  }
0x17: {  	s4 =	simm.s32 $0x1BF5;
	[smem:$0x3FB7] =	sst s0  }
0x18: {  	s0 =	sld [smem:$0x3F9A];
	_ =	swait.ge [sflag:s4], $0x0  }
0x19: {  	s7 =	sld [smem:$0x3F9B]  }
0x1a: {  	s8 =	sadd.s32 $0xFFFFE003, lr  }
0x1b: {  	s9 =	sadd.s32 $0xFFFFFEF7, lr;
	s5 =	simm.s32 $0xFFFFFFFF;
	p2 =	slt.u32 s8, $0xFFFFF086  }
0x1c: {  	p1 =	slt.u32 s9, $0xF7A;
	s5 =	simm.s32 @!p2 $0x0  }
0x1d: {  	s5 =	simm.s32 @p1 $0x1;
	p0 =	seq.s32 s7, s2  }
0x1e: {  	s7 =	smul.u32 @!p0 $0xF7A, s2;
	p2 =	seq.s32 @!p0 s5, $0x0  }
0x1f: {  	s9 =	smul.u32 $0xF7A, s1;
	s8 =	simm.s32 @!p0 $0x1BF5;
	p2 =	por !p2, p0  }
0x20: {  	[sflag:s8] =	ssyncset.s32 @!p0 $0xFFFFF086;
	s6 =	sadd.s32 @!p0 s3, s7;
	s7 =	simm.s32 @!p0 $0x108  }
0x21: {  	s3 =	sadd.s32 s3, s9;
	s6 =	sadd.s32 @!p0 $0x88, s6;
	s7 =	simm.s32 @p2 $0x1082  }
0x22: {  	[simem:s7], [sflag:s8] =	dma.local @!p0 [hbm:s6], $0xF7A  }
0x23: {  	s9 =	sor.u32 $0xD0000000, s2;
	s6 =	simm.s32 $0x108;
	_ =	swait.ge @!p0 [sflag:s8], $0x0  }
0x24: {  	s3 =	sadd.s32 $0x88, s3;
	s6 =	simm.s32 @!p1 $0x1082;
	[sflag:s4] =	ssyncset.s32 $0xFFFFF086  }
0x25: {  	[simem:s6], [sflag:s4] =	dma.local [hbm:s3], $0xF7A  }
0x26: {  	[smem:$0x3F9B] =	sst s1;
	(tag) =	ssettag s2;
	_ =	strace s9  }
0x27: {  	s1 =	sld [smem:$0x3FAB]  }
0x28: {  	s2 =	sld [smem:$0x3FAC]  }
0x29: {  	s4 =	sld [smem:$0x3FAE]  }
0x2a: {  	p0 =	seq.s32 s5, $0x0;
	s5 =	sld [smem:$0x3FAF]  }
0x2b: {  	s6 =	sld [smem:$0x3FB0]  }
0x2c: {  	s7 =	sld [smem:$0x3FB1]  }
0x2d: {  	s3 =	simm.s32 $0x108;
	s8 =	sld [smem:$0x3FB2]  }
0x2e: {  	s3 =	simm.s32 @!p0 $0x1082;
	s9 =	sld [smem:$0x3FB3]  }
0x2f: {  	lr =	sadd.s32 s0, s3;
	s0 =	sld [smem:$0x3FAA]  }
0x30: {  	s3 =	sld [smem:$0x3FAD]  }
0x31: {  	[smem:$0x3FB6] =	sst s10  }
0x32: {  	s10 =	sld [smem:$0x3FB4];
	_ =	sdelay $0x3  }
0x33: {  	p0 =	seq.s32 s10, $0x1;
	s10 =	sld [smem:$0x3FB6];
	_ =	sdelay $0x3  }
0x34: {  	[smem:$0x3FB6] =	sst s10  }
0x35: {  	s10 =	sld [smem:$0x3FB5];
	_ =	sdelay $0x3  }
0x36: {  	p1 =	seq.s32 s10, $0x1;
	s10 =	sld [smem:$0x3FB6];
	_ =	sdelay $0x3  }
0x37: {  	[smem:$0x3FB6] =	sst s10  }
0x38: {  	s10 =	sld [smem:$0x3FB7]  }
0x39: {  	_ = 	snop;
	(pc) =	sbr.ind lr, $3  }
0x3a: {  	_ = 	snop  }
0x3b: {  	_ = 	snop  }
0x3c: {  	p2 =	seq.s32 s10, $0x1;
	s10 =	sld [smem:$0x3FB6]  }
0x3d: {  	_ =	shalt  }
0x3e: {  	_ =	shalt  }
0x3f: {  	_ =	shalt  }
0x40: {  	_ =	shalt  }
0x41: {  	_ =	shalt  }
0x42: {  	_ =	shalt  }
0x43: {  	_ =	shalt  }
0x44: {  	_ =	shalt  }
0x45: {  	_ =	shalt  }
0x46: {  	_ =	shalt  }
0x47: {  	_ =	shalt  }
0x48: {  	_ =	shalt  }
0x49: {  	_ =	shalt  }
0x4a: {  	_ =	shalt  }
0x4b: {  	_ =	shalt  }
0x4c: {  	_ =	shalt  }
0x4d: {  	_ =	shalt  }
0x4e: {  	_ =	shalt  }
0x4f: {  	_ =	shalt  }
0x50: {  	_ =	shalt  }
0x51: {  	_ =	shalt  }
0x52: {  	_ =	shalt  }
0x53: {  	_ =	shalt  }
0x54: {  	_ =	shalt  }
0x55: {  	_ =	shalt  }
0x56: {  	_ =	shalt  }
0x57: {  	_ =	shalt  }
0x58: {  	_ =	shalt  }
0x59: {  	_ =	shalt  }
0x5a: {  	_ =	shalt  }
0x5b: {  	_ =	shalt  }
0x5c: {  	_ =	shalt  }
0x5d: {  	_ =	shalt  }
0x5e: {  	_ =	shalt  }
0x5f: {  	_ =	shalt  }
0x60: {  	_ =	shalt  }
0x61: {  	_ =	shalt  }
0x62: {  	_ =	shalt  }
0x63: {  	_ =	shalt  }
0x64: {  	_ =	shalt  }
0x65: {  	_ =	shalt  }
0x66: {  	_ =	shalt  }
0x67: {  	_ =	shalt  }
0x68: {  	_ =	shalt  }
0x69: {  	_ =	shalt  }
0x6a: {  	_ =	shalt  }
0x6b: {  	_ =	shalt  }
0x6c: {  	_ =	shalt  }
0x6d: {  	_ =	shalt  }
0x6e: {  	_ =	shalt  }
0x6f: {  	_ =	shalt  }
0x70: {  	_ =	shalt  }
0x71: {  	_ =	shalt  }
0x72: {  	_ =	shalt  }
0x73: {  	_ =	shalt  }
0x74: {  	_ =	shalt  }
0x75: {  	_ =	shalt  }
0x76: {  	_ =	shalt  }
0x77: {  	_ =	shalt  }
0x78: {  	_ =	shalt  }
0x79: {  	_ =	shalt  }
0x7a: {  	_ =	shalt  }
0x7b: {  	_ =	shalt  }
0x7c: {  	_ =	shalt  }
0x7d: {  	_ =	shalt  }
0x7e: {  	_ =	shalt  }
0x7f: {  	_ =	shalt  }
0x80: {  	_ =	shalt  }
0x81: {  	_ =	shalt  }
0x82: {  	_ =	shalt  }
0x83: {  	_ =	shalt  }
0x84: {  	_ =	shalt  }
0x85: {  	_ =	shalt  }
0x86: {  	_ =	shalt  }
0x87: {  	_ =	shalt  }
.Lfunc_end0:
.L_simem_size_0:
called_computation_lowered:
.L_overlay_start_0:
0x88: {  	s2 =	sld [smem:$0x3FD9]  }
0x89: {  	s3 =	sld [smem:$0x3FFE];
	_ =	sdelay $0x1  }
0x8a: {  	s1 =	srdreg.scid  }
0x8b: {  	s0 =	sand.u32 $0x1, s1  }
0x8c: {  	s16 =	sshll.u32 s0, $0xA;
	s2 =	sadd.s32 s3, s2  }
0x8d: {  	s2 =	sadd.s32 s2, s16  }
0x8e: {  	[smem:$0x3FC2] =	sst s2  }
0x8f: {  	_ = 	snop  }
0x90: {  	(tm) =	ssettm $0x1  }
0x91: {  	s17 =	sld [smem:$0x3FFB];
	_ =	sdelay $0x3  }
0x92: {  	_ =	strace s17  }
0x93: {  	s2 =	sld [smem:$0x3FFC];
	_ =	sdelay $0x3  }
0x94: {  	_ =	strace s2  }
0x95: {  	s2 =	sld [smem:$0x3FFD];
	_ =	sdelay $0x3  }
0x96: {  	_ =	strace s2  }
0x97: {  	_ =	strace $0x8FFFFFFF  }
0x98: {  	s18 =	sld [smem:$0x3FDB];
	_ =	sdelay $0x1  }
0x99: {  	s19 =	simm.s32 $_scs_section_size  }
0x9a: {  	s4 =	simm.s32 $_size__tile_overlayer_lowered;
	s5 =	simm.s32 $_tile_overlayer_lowered  }
0x9b: {  	s22 =	simm.s32 $0x1BFF;
	s21 =	sshll.u32 s5, $0x1;
	s2 =	sadd.s32 s19, s18  }
0x9c: {  	s6 =	simm.s32 $0x0;
	s20 =	sshll.u32 s4, $0x1;
	s4 =	sadd.s32 s21, s2  }
0x9d: {  	[timem:s6], [sflag:s22] =	dma.local [hbm:s4], s20  }
0x9e: {  	_ =	swait.ge [sflag:s22], s20  }
0x9f: {  	s3 =	ssub.s32 $0x0, s20;
	[sflag:s22] =	ssyncset.done $0x0  }
0xa0: {  	[sflag:s22] =	ssyncadd.s32 s3;
	_ =	sdelay $0x1  }
0xa1: {  	s23 =	simm.s32 $0x1B8B  }
0xa2: {  	_ =	swait.ge [sflag:s23], $0x1  }
0xa3: {  	[sflag:s23] =	ssyncset.done $0x0  }
0xa4: {  	s25 =	simm.s32 $0x1B8E;
	s24 =	sld [smem:$0x3FFE];
	[sflag:s23] =	ssyncadd.s32 $0xFFFFFFFF  }
0xa5: {  	s26 =	simm.s32 $execute0_lowered;
	[smem:$0x3FD2] =	sst s25  }
0xa6: {  	s4 =	sshll.u32 s26, $0x1;
	_ =	strace $0x80000046;
	[dreg:$0x1] =	wrdreg $0xFFFFFFFF  }
0xa7: {  	s28 =	simm.s32 $_size_execute0_lowered;
	s2 =	sadd.s32 s2, s4;
	[dreg:$0x0] =	wrdreg $0x0  }
0xa8: {  	s4 =	sshll.u32 s28, $0x1;
	[dreg:$0x2] =	wrdreg s2  }
0xa9: {  	[dreg:$0x3] =	wrdreg s4  }
0xaa: {  	[dreg:$0x4] =	wrdreg $0xC0  }
0xab: {  	_ =	task [dreg:s6], $0x5FFFF  }
0xac: {  	[dreg:$0x1] =	wrdreg $0xFFFFFFFF  }
0xad: {  	[dreg:$0x0] =	wrdreg $0x60  }
0xae: {  	[dreg:$0x2] =	wrdreg s24  }
0xaf: {  	[dreg:$0x3] =	wrdreg $0x168800  }
0xb0: {  	[dreg:$0x4] =	wrdreg $0x9  }
0xb1: {  	_ =	task.clear_ibuf [dreg:s6], $0x5FFFF;
	_ =	strace $0x90000046  }
0xb2: {  	s29 =	simm.s32 $0x9;
	_ =	strace $0x80000048  }
0xb3: {  	_ =	swait.ge [sflag:s29], $0x1  }
0xb4: {  	[sflag:s29] =	ssyncadd.s32 $0xFFFFFFFF  }
0xb5: {  	_ =	strace $0x90000048  }
0xb6: {  	_ =	sfence  }
0xb7: {  	s30 =	sld [smem:$0x0];
	_ =	sdelay $0x2  }
0xb8: {  	s31 =	sshll.u32 s1, $0xD;
	s1 =	sshrl.u32 s1, $0x2  }
0xb9: {  	s3 =	sand.u32 $0x4000, s31;
	s1 =	sadd.s32 s1, s30  }
0xba: {  	s0 =	sor.u32 s3, s0;
	s1 =	sshll.u32 s1, $0x11  }
0xbb: {  	s0 =	sor.u32 s1, s0  }
0xbc: {  	s0 =	sadd.s32 $0x8F2B, s0  }
0xbd: {  	[sflag:s0] =	ssyncadd.remote.s32 $0x1  }
0xbe: {  	_ =	sfence.sel $0xFFFF  }
0xbf: {  	[dreg:$0x0] =	wrdreg $0xFFFFFFFF;
	(pc) =	sbr.abs _section_cstart, $3  }
0xc0: {  	[dreg:$0x1] =	wrdreg $0xFFFFFFFF  }
0xc1: {  	_ =	task.clear_ibuf [dreg:s6], $0x2FFFF;
	_ =	strace $0x9FFFFFFF  }
0xc2: {  	(tm) =	ssettm $0x7FFFFFFF  }
0xc3: {  	_ =	shalt  }
tec
execute0_lowered:
.L_overlay_start_1:
0x0: {  	(tag) =	ssettag $0x1  }
0x1: {  	s1 =	srdreg.scid  }
0x2: {  	s0 =	stileid.u32;
	s6 =	rddreg [dreg:$0x0]  }
0x3: {  	s2 =	rddreg [dreg:$0x1];
	s3 =	simm.s32 $0x0;
	s13 =	simm.s32 $0x16800  }
0x4: {  	s14 =	simm.s32 $0x50;
	s5 =	sand.u32 $0x1, s1;
	s1 =	rddreg [dreg:$0x2]  }
0x5: {  	s15 =	simm.s32 $0x0;
	s31 =	sshll.u32 s0, $0x1;
	[smem:$0x7FF] =	sst s3  }
0x6: {  	s9 =	sshll.u32 s0, $0xA;
	p0 =	sgt.u32 s0, $0x9;
	s4 =	sor.u32 s5, s31  }
0x7: {  	s7 =	smul.u32 $0x2800, s5;
	_ =	strace $0x80000047;
	s10 =	ssub.s32 $0x2, s5  }
0x8: {  	s5 =	sadd.s32 $0x52800, s6;
	s12 =	sadd.s32 s9, s2;
	s4 =	smul.u32 $0x2800, s4  }
0x9: {  	s11 =	sshrl.u32 s10, $0x1;
	s12 =	sshrl.u32 @!p0 s12, $0x3;
	s7 =	sadd.s32 s9, s7  }
0xa: {  	s10 =	ssub.s32 s10, s11;
	s9 =	simm.s32 $0x14000;
	s11 =	sshll.u32 @!p0 s0, $0x6  }
0xb: {  	s8 =	sadd.s32 s4, s6;
	s4 =	sadd.s32 $0x52A00, s6;
	s7 =	sshrl.u32 s7, $0x3  }
0xc: {  	s11 =	sor.u32 @!p0 $0x1C01, s11;
	s7 =	sadd.s32 s7, s6;
	s6 =	sadd.s32 $0x2800, s8  }
0xd: {  	v0 =	vimm.f32 $1.000000000e+00;
	s8 =	smax.u32 s10, $0x1;
	s10 =	simm.s32 $0x1;
	s7 =	sadd.s32 $0x55200, s7  }
.LBB2_1:
0xe: {  	[tilespmem:s9], [sflag:$0x1] =	stream.linear.gather [hbm4b:s4+s3], $0x2800, $0x38;
	[tilespmem:$0x16B00] =	vst v63  }
0xf: {  	_ =	swait.ge [sflag:s10], $0x2800  }
0x10: {  	[sflag:s10] =	ssyncset.done $0x0  }
0x11: {  	s16 =	simm.s32 @!p0 $0x1;
	[sflag:s10] =	ssyncadd.s32 $0xFFFFD800  }
0x12: {  	[spmem:s12], [sflag:s11] =	dma.local @!p0 [hbm:s4], $0x80  }
0x13: {  	_ =	swait.ge @!p0 [sflag:s16], $0x80  }
0x14: {  	[sflag:s16] =	ssyncset.done @!p0 $0x0  }
0x15: {  	[sflag:s16] =	ssyncadd.s32 @!p0 $0xFFFFFF80  }
0x16: {  	[tilespmem:s13], [sflag:$0x1] =	stream.linear.gather [hbm4b:s5+s3], $0x80, $0x38;
	[tilespmem:$0x16B00] =	vst v63  }
0x17: {  	_ =	swait.ge [sflag:s10], $0x80  }
0x18: {  	[sflag:s10] =	ssyncset.done $0x0  }
0x19: {  	[sflag:s10] =	ssyncadd.s32 $0xFFFFFF80  }
0x1a: {  	[tilespmem:s3], [sflag:$0x1] =	stream.linear.gather [hbm4b:s6+s3], $0x14000, $0x38;
	[tilespmem:$0x16B00] =	vst v63  }
0x1b: {  	_ =	swait.ge [sflag:s10], $0x14000  }
0x1c: {  	[sflag:s10] =	ssyncset.done $0x0  }
0x1d: {  	[sflag:s10] =	ssyncadd.s32 $0xFFFEC000  }
0x1e: {  	s17 =	simm.s32 $0x0;
	s16 =	simm.s32 $0x200;
	[bflag:$0x0] =	sbarrier.arrive $0xFFFF  }
.LBB2_2:
0x1f: {  	p1 =	sne.s32 s16, $0x4FE00;
	v1 =	vld [tilespmem:s17+$0x0];
	_ =	sdelay $0x3  }
.Ltmp0:
0x20: {  	(pc) =	sbr.rel @p1 .LBB2_2-.Ltmp0, $2  }
0x21: {  	_ =	sdelay $0x2  }
0x22: {  	s17 =	sshra.s32 s16, $0x2;
	s16 =	sadd.s32 $0x200, s16;
	[tilespmem:v1+s9+$0x0] =	vst.idx.add.f32.msk $0xffff, v0  }
0x23: {  	v1 =	vld [tilespmem:s17+$0x0];
	_ =	sdelay $0x7  }
0x24: {  	[tilespmem:v1+s9+$0x0] =	vst.idx.add.f32.msk $0xffff, v0  }
0x25: {  	[spmem:s2] =	stream.indirect.scatter.add.f32 [tilespmem:s9], [sflag:$0x1], $0x80, s13, s14, $0xb8;
	[tilespmem:$0x16B00] =	vst v63  }
0x26: {  	_ =	swait.ge [sflag:s10], $0x2800  }
0x27: {  	s15 =	sadd.s32 $0x1, s15;
	[sflag:s10] =	ssyncset.done $0x0  }
0x28: {  	p1 =	sne.s32 s15, s8;
	[sflag:s10] =	ssyncadd.s32 $0xFFFFD800  }
.Ltmp1:
0x29: {  	s16 =	simm.s32 @!p0 $0x1;
	[bflag:$0x0] =	sbarrier.arrive $0xFFFF;
	(pc) =	sbr.rel @p1 .LBB2_1-.Ltmp1, $4  }
0x2a: {  	[hbm:s7], [sflag:s11] =	dma.local @!p0 [spmem:s12], $0x80  }
0x2b: {  	_ =	swait.ge @!p0 [sflag:s16], $0x80  }
0x2c: {  	[sflag:s16] =	ssyncset.done @!p0 $0x0  }
0x2d: {  	[sflag:s16] =	ssyncadd.s32 @!p0 $0xFFFFFF80  }
0x2e: {  	_ =	sfence.sel $0x180000  }
0x2f: {  	[bflag:$0x0] =	sbarrier.arrive $0xFFFF  }
0x30: {  	p0 =	sne.s32 s0, $0x0;
	_ =	strace $0x90000047  }
0x31: {  	s0 =	sadd.s32 @!p0 $0x100000, s1;
	[bflag:$0x2] =	sbarrier.arrive $0xFFFF  }
0x32: {  	[sflag:s0] =	ssyncadd.tile.s32 @!p0 $0x1;
	_ =	shalt  }
.Lfunc_end2:
_tile_overlayer_lowered:
.L_overlay_start_2:
0x33: {  	(tag) =	ssettag $0x2  }
0x34: {  	s0 =	rddreg [dreg:$0x0];
	s2 =	stileid.u32  }
0x35: {  	s1 =	rddreg [dreg:$0x1];
	p0 =	sne.s32 s2, $0x0  }
0x36: {  	s3 =	rddreg [dreg:$0x2];
	[bflag:$0x3] =	sbarrier.arrive $0xFFFF;
	s2 =	simm.s32 @!p0 $0x1C01  }
0x37: {  	[timem:s3], [sflag:s2] =	dma.local @!p0 [hbm:s0], s1  }
0x38: {  	s0 =	simm.s32 @!p0 $0x1  }
0x39: {  	_ =	swait.ge @!p0 [sflag:s0], s1  }
0x3a: {  	s1 =	ssub.s32 @!p0 $0x0, s1;
	[sflag:s0] =	ssyncset.done @!p0 $0x0  }
0x3b: {  	[sflag:s0] =	ssyncadd.s32 @!p0 s1  }
0x3c: {  	[bflag:$0x3] =	sbarrier.arrive $0xFFFF  }
0x3d: {  	_ =	shalt  }

</sc_bundles>
